<compile_context>
chip_gen: v7x
topology: tpu7x:2x2x1
jax: 0.10.2.dev20260603
libtpu: 0.0.44.dev20260713+nightly
codegen_flags: <defaults>
</compile_context>

<pallas_src>
import functools

import jax
import jax.numpy as jnp
from jax import lax
from jax.experimental import pallas as pl
from jax.experimental.pallas import tpu as pltpu
from jax.experimental.pallas import tpu_sc as plsc

N = 10000
D = 128
E = 320000

NC = 2
NS = 16
NW = NC * NS
B = 128
T0 = 100
T1R = 57
T1 = T1R
CHM = max(T0, T1)
E_PAD = NS * (T0 + T1R) * B
NPAD = 10112
RPT = NPAD // NS



@functools.cache
def _sc_kernels():
    mesh = plsc.VectorSubcoreMesh(core_axis_name="c", subcore_axis_name="s",
                                  num_cores=NC, num_subcores=NS)

    @functools.partial(
        pl.kernel,
        out_type=jax.ShapeDtypeStruct((NC, NPAD, D), jnp.float32),
        mesh=mesh,
        scratch_types=[
            pltpu.VMEM((CHM, 2, B), jnp.int32),
            pltpu.VMEM((B, D), jnp.float32),
            pltpu.VMEM_SHARED((NPAD, D), jnp.float32),
            pltpu.SemaphoreType.DMA,
        ],
    )
    def deg_kernel(ed_hbm, ones_hbm, zeros_hbm, out_hbm,
                   ed_v, ones_v, acc, sem_s):
        c = lax.axis_index("c")
        s = lax.axis_index("s")
        wid = s * NC + c
        trip = jnp.where(c == 0, T0, T1)
        pltpu.sync_copy(zeros_hbm, acc.at[pl.ds(s * RPT, RPT)])
        pltpu.sync_copy(ones_hbm, ones_v)
        pltpu.sync_copy(ed_hbm.at[wid], ed_v)
        plsc.subcore_barrier()

        def fire(j, carry):
            pltpu.async_copy(ones_v, acc.at[ed_v.at[j, 1]], sem_s, add=True)
            return carry

        def drain(j, carry):
            pltpu.make_async_copy(ones_v, acc.at[ed_v.at[0, 1]],
                                  sem_s).wait()
            return carry

        lax.fori_loop(0, trip, fire, 0)
        lax.fori_loop(0, trip, drain, 0)
        plsc.subcore_barrier()
        pltpu.sync_copy(acc.at[pl.ds(s * RPT, RPT)],
                        out_hbm.at[c, pl.ds(s * RPT, RPT)])

    @functools.partial(
        pl.kernel,
        out_type=jax.ShapeDtypeStruct((NC, NPAD, D), jnp.float32),
        mesh=mesh,
        scratch_types=[
            pltpu.VMEM((CHM, 2, B), jnp.int32),
            pltpu.VMEM((B, D), jnp.float32),
            pltpu.VMEM_SHARED((NPAD, D), jnp.float32),
            pltpu.SemaphoreType.DMA,
        ],
    )
    def agg_kernel(ed_hbm, hs_hbm, zeros_hbm, out_hbm,
                   ed_v, rows_v, acc, sem):
        c = lax.axis_index("c")
        s = lax.axis_index("s")
        wid = s * NC + c
        trip = jnp.where(c == 0, T0, T1)
        pltpu.sync_copy(zeros_hbm, acc.at[pl.ds(s * RPT, RPT)])
        pltpu.sync_copy(ed_hbm.at[wid], ed_v)
        plsc.subcore_barrier()

        def body(j, carry):
            pltpu.async_copy(hs_hbm.at[ed_v.at[j, 0]], rows_v, sem).wait()
            pltpu.sync_copy(rows_v, acc.at[ed_v.at[j, 1]], add=True)
            return carry

        lax.fori_loop(0, trip, body, 0)
        plsc.subcore_barrier()
        pltpu.sync_copy(acc.at[pl.ds(s * RPT, RPT)],
                        out_hbm.at[c, pl.ds(s * RPT, RPT)])

    return deg_kernel, agg_kernel



def _tc_stage1(x, W1, degP):
    def body(x_ref, w_ref, degp_ref, dinv_ref, h_ref, hs_ref):
        deg = degp_ref[0, :N, 0:1] + degp_ref[1, :N, 0:1] + 1.0
        dinv = lax.rsqrt(deg)
        h = jnp.dot(x_ref[...], w_ref[...], preferred_element_type=jnp.float32)
        dinv_ref[...] = dinv
        h_ref[...] = h
        hs_ref[...] = h * dinv

    return pl.pallas_call(
        body,
        out_shape=[
            jax.ShapeDtypeStruct((N, 1), jnp.float32),
            jax.ShapeDtypeStruct((N, D), jnp.float32),
            jax.ShapeDtypeStruct((N, D), jnp.float32),
        ],
    )(x, W1, degP)


def _tc_mid(S, h, dinv, b, gamma, beta, W_next):
    def body(s_ref, h_ref, dinv_ref, b_ref, g_ref, be_ref, w_ref,
             h2_ref, hs2_ref):
        dinv = dinv_ref[...]
        h = h_ref[...]
        agg = s_ref[0, :N, :] + s_ref[1, :N, :]
        conv = dinv * agg + (dinv * dinv) * h + b_ref[...]
        mean = jnp.mean(conv, axis=0, keepdims=True)
        var = jnp.mean((conv - mean) ** 2, axis=0, keepdims=True)
        y = g_ref[...] * (conv - mean) * lax.rsqrt(var + 1e-5) + be_ref[...]
        y = jnp.maximum(y, 0.0)
        h2 = jnp.dot(y, w_ref[...], preferred_element_type=jnp.float32)
        h2_ref[...] = h2
        hs2_ref[...] = h2 * dinv

    return pl.pallas_call(
        body,
        out_shape=[
            jax.ShapeDtypeStruct((N, D), jnp.float32),
            jax.ShapeDtypeStruct((N, D), jnp.float32),
        ],
    )(S, h, dinv, b.reshape(1, D), gamma.reshape(1, D), beta.reshape(1, D),
      W_next)


def _tc_final(S, h, dinv, b):
    def body(s_ref, h_ref, dinv_ref, b_ref, out_ref):
        dinv = dinv_ref[...]
        agg = s_ref[0, :N, :] + s_ref[1, :N, :]
        conv = dinv * agg + (dinv * dinv) * h_ref[...] + b_ref[...]
        m = jnp.max(conv, axis=-1, keepdims=True)
        z = conv - m
        lse = jnp.log(jnp.sum(jnp.exp(z), axis=-1, keepdims=True))
        out_ref[...] = z - lse

    return pl.pallas_call(
        body,
        out_shape=jax.ShapeDtypeStruct((N, D), jnp.float32),
    )(S, h, dinv, b.reshape(1, D))



def kernel(x, edge_index, W1, b1, W2, b2, W3, b3, gamma1, beta1,
           gamma2, beta2):
    src = edge_index[0].astype(jnp.int32)
    dst = edge_index[1].astype(jnp.int32)
    pad = E_PAD - E
    srcp = jnp.concatenate([src, jnp.zeros((pad,), jnp.int32)]
                           ).reshape(-1, 1, B)
    dstp = jnp.concatenate([dst, jnp.full((pad,), N, jnp.int32)]
                           ).reshape(-1, 1, B)
    edf = jnp.concatenate([srcp, dstp], axis=1)
    ed0 = edf[:NS * T0].reshape(NS, 1, T0, 2, B)
    ed1 = edf[NS * T0:].reshape(NS, 1, T1R, 2, B)
    fill = jnp.concatenate(
        [jnp.zeros((NS, 1, CHM - T1R, 1, B), jnp.int32),
         jnp.full((NS, 1, CHM - T1R, 1, B), N, jnp.int32)], axis=3)
    ed1 = jnp.concatenate([ed1, fill], axis=2)
    ed = jnp.concatenate([ed0, ed1], axis=1).reshape(NW, CHM, 2, B)

    ones = jnp.ones((B, D), jnp.float32)
    zeros = jnp.zeros((RPT, D), jnp.float32)

    deg_kernel, agg_kernel = _sc_kernels()
    degP = deg_kernel(ed, ones, zeros)
    dinv, h1, hs1 = _tc_stage1(x, W1, degP)
    S1 = agg_kernel(ed, hs1, zeros)
    h2, hs2 = _tc_mid(S1, h1, dinv, b1, gamma1, beta1, W2)
    S2 = agg_kernel(ed, hs2, zeros)
    h3, hs3 = _tc_mid(S2, h2, dinv, b2, gamma2, beta2, W3)
    S3 = agg_kernel(ed, hs3, zeros)
    return _tc_final(S3, h3, dinv, b3)

# --- scband reference (transcript-rebuilt; emitter-appended) ---
"""Pipeline reference for scband-gcn-22694607192298 (READ-ONLY COPY).

The authoritative reference and input builder live on the scoring server;
editing this copy changes nothing except your own understanding.
"""

import jax, jax.numpy as jnp
import numpy as np

N_NODES = 10000
D = 128
N_EDGES = 320000


def setup_inputs(seed: int = 0) -> dict:
    key = jax.random.key(seed)
    ks = jax.random.split(key, 16)
    x = jax.random.normal(ks[0], (N_NODES, D), dtype=jnp.float32)
    edge_index = jax.random.randint(ks[1], (2, N_EDGES), 0, N_NODES, dtype=jnp.int64)
    s = 1.0 / np.sqrt(D)
    W1 = jax.random.uniform(ks[2], (D, D), jnp.float32, -s, s)
    b1 = jnp.zeros((D,), jnp.float32)
    W2 = jax.random.uniform(ks[3], (D, D), jnp.float32, -s, s)
    b2 = jnp.zeros((D,), jnp.float32)
    W3 = jax.random.uniform(ks[4], (D, D), jnp.float32, -s, s)
    b3 = jnp.zeros((D,), jnp.float32)
    gamma1 = jnp.ones((D,), jnp.float32)
    beta1 = jnp.zeros((D,), jnp.float32)
    gamma2 = jnp.ones((D,), jnp.float32)
    beta2 = jnp.zeros((D,), jnp.float32)
    return {"x": x, "edge_index": edge_index, "W1": W1, "b1": b1, "W2": W2, "b2": b2,
            "W3": W3, "b3": b3, "gamma1": gamma1, "beta1": beta1, "gamma2": gamma2, "beta2": beta2}


def _gcn_conv(x, W, b, edge_index, num_nodes):
    # x' = D^{-1/2} (A + I) D^{-1/2} (x W) + b   (PyG GCNConv semantics)
    h = x @ W
    loop = jnp.arange(num_nodes, dtype=edge_index.dtype)
    src = jnp.concatenate([edge_index[0], loop])
    dst = jnp.concatenate([edge_index[1], loop])
    deg = jnp.zeros((num_nodes,), jnp.float32).at[dst].add(1.0)
    dinv = jnp.where(deg > 0, jax.lax.rsqrt(deg), 0.0)
    norm = dinv[src] * dinv[dst]
    msg = h[src] * norm[:, None]
    out = jnp.zeros((num_nodes, h.shape[1]), h.dtype).at[dst].add(msg)
    return out + b


def _batchnorm(x, gamma, beta, eps=1e-5):
    mean = jnp.mean(x, axis=0)
    var = jnp.mean((x - mean) ** 2, axis=0)
    return gamma * (x - mean) * jax.lax.rsqrt(var + eps) + beta


def reference(x, edge_index, W1, b1, W2, b2, W3, b3, gamma1, beta1, gamma2, beta2):
    n = x.shape[0]
    h = _gcn_conv(x, W1, b1, edge_index, n)
    h = _batchnorm(h, gamma1, beta1)
    h = jax.nn.relu(h)
    # dropout is identity in deterministic/eval reference
    h = _gcn_conv(h, W2, b2, edge_index, n)
    h = _batchnorm(h, gamma2, beta2)
    h = jax.nn.relu(h)
    h = _gcn_conv(h, W3, b3, edge_index, n)
    return jax.nn.log_softmax(h, axis=-1)

if __name__ == "__main__":
    import jax
    _d = setup_inputs()
    print(jax.jit(kernel)(*tuple(_d.values())))

</pallas_src>

<mosaic_0001>
#map = affine_map<(d0, d1) -> (0, 0, 0, 0)>
#map1 = affine_map<(d0, d1) -> (0, 0)>
#map2 = affine_map<(d0, d1) -> (0, 0, 0)>
module attributes {stable_mosaic.version = 14 : i64} {
  func.func @agg_kernel(%arg0: i32, %arg1: i32, %arg2: memref<32x100x2x128xi32, #tpu.memory_space<hbm>>, %arg3: memref<10000x128xf32, #tpu.memory_space<hbm>>, %arg4: memref<632x128xf32, #tpu.memory_space<hbm>>, %arg5: memref<2x10112x128xf32, #tpu.memory_space<hbm>>, %arg6: memref<100x2x128xi32, #tpu.memory_space<vmem>>, %arg7: memref<128x128xf32, #tpu.memory_space<vmem>>, %arg8: memref<10112x128xf32, #tpu.memory_space<vmem_shared>>, %arg9: memref<!tpu.dma_semaphore, #tpu.memory_space<semaphore_mem>>) attributes {dimension_semantics = [#tpu.dimension_semantics<core_parallel>, #tpu.dimension_semantics<subcore_parallel>], iteration_bounds = array<i64: 2, 16>, scalar_prefetch = 0 : i64, scratch_operands = 4 : i64, tpu.core_type = #tpu.core_type<sc_vector_subcore>, window_params = [{transform_indices = #map}, {transform_indices = #map1}, {transform_indices = #map1}, {transform_indices = #map2}]} {
    %mul3A = arith.constant 2 : i32
    %mul3A_0 = arith.muli %arg1, %mul3A : i32
    %add3A = arith.addi %mul3A_0, %arg0 : i32
    %eq3A = arith.constant 0 : i32
    %eq3A_1 = arith.cmpi eq, %arg0, %eq3A : i32
    %jit3A = arith.constant 100 : i32
    %jit3A_2 = arith.constant 57 : i32
    %select_n3A = arith.select %eq3A_1, %jit3A, %jit3A_2 : i32
    %mul3A_3 = arith.constant 632 : i32
    %mul3A_4 = arith.muli %arg1, %mul3A_3 : i32
    "tpu.region"() ({
      %run_scoped3A = tpu.sem_alloc : memref<!tpu.dma_semaphore, #tpu.memory_space<semaphore_mem>>
      %dma_start3A = arith.constant 0 : i32
      %dma_start3A_19 = tpu.memref_slice %arg8[%mul3A_4, %dma_start3A] : memref<10112x128xf32, #tpu.memory_space<vmem_shared>> -> memref<632x128xf32, #tpu.memory_space<vmem_shared>>
      tpu.enqueue_dma source(%arg4 : memref<632x128xf32, #tpu.memory_space<hbm>>) target(%dma_start3A_19 : memref<632x128xf32, #tpu.memory_space<vmem_shared>>) target_semaphore(%run_scoped3A : memref<!tpu.dma_semaphore, #tpu.memory_space<semaphore_mem>>)
      %dma_wait3A = arith.constant 0 : i32
      %dma_wait3A_20 = tpu.memref_slice %arg8[%mul3A_4, %dma_wait3A] : memref<10112x128xf32, #tpu.memory_space<vmem_shared>> -> memref<632x128xf32, #tpu.memory_space<vmem_shared>>
      tpu.wait_dma2 semaphore(%run_scoped3A : memref<!tpu.dma_semaphore, #tpu.memory_space<semaphore_mem>>) src(%arg4 : memref<632x128xf32, #tpu.memory_space<hbm>>) dst(%dma_wait3A_20 : memref<632x128xf32, #tpu.memory_space<vmem_shared>>)
      tpu.yield
    }) : () -> ()
    "tpu.region"() ({
      %run_scoped3A = tpu.sem_alloc : memref<!tpu.dma_semaphore, #tpu.memory_space<semaphore_mem>>
      %dma_start3A = arith.constant 0 : i32
      %dma_start3A_19 = arith.constant 0 : i32
      %dma_start3A_20 = arith.constant 0 : i32
      %dma_start3A_21 = tpu.memref_slice %arg2[%add3A, %dma_start3A, %dma_start3A_19, %dma_start3A_20] : memref<32x100x2x128xi32, #tpu.memory_space<hbm>> -> memref<1x100x2x128xi32, #tpu.memory_space<hbm>>
      %dma_start3A_22 = tpu.memref_squeeze %dma_start3A_21 : memref<1x100x2x128xi32, #tpu.memory_space<hbm>> -> memref<100x2x128xi32, #tpu.memory_space<hbm>>
      %dma_start3A_23 = arith.constant 0 : i32
      %dma_start3A_24 = arith.constant 0 : i32
      %dma_start3A_25 = arith.constant 0 : i32
      %dma_start3A_26 = tpu.memref_slice %arg2[%add3A, %dma_start3A_23, %dma_start3A_24, %dma_start3A_25] : memref<32x100x2x128xi32, #tpu.memory_space<hbm>> -> memref<1x100x2x128xi32, #tpu.memory_space<hbm>>
      %dma_start3A_27 = tpu.memref_squeeze %dma_start3A_26 : memref<1x100x2x128xi32, #tpu.memory_space<hbm>> -> memref<100x2x128xi32, #tpu.memory_space<hbm>>
      tpu.enqueue_dma source(%dma_start3A_27 : memref<100x2x128xi32, #tpu.memory_space<hbm>>) target(%arg6 : memref<100x2x128xi32, #tpu.memory_space<vmem>>) target_semaphore(%run_scoped3A : memref<!tpu.dma_semaphore, #tpu.memory_space<semaphore_mem>>)
      %dma_wait3A = arith.constant 0 : i32
      %dma_wait3A_28 = arith.constant 0 : i32
      %dma_wait3A_29 = arith.constant 0 : i32
      %dma_wait3A_30 = tpu.memref_slice %arg2[%add3A, %dma_wait3A, %dma_wait3A_28, %dma_wait3A_29] : memref<32x100x2x128xi32, #tpu.memory_space<hbm>> -> memref<1x100x2x128xi32, #tpu.memory_space<hbm>>
      %dma_wait3A_31 = tpu.memref_squeeze %dma_wait3A_30 : memref<1x100x2x128xi32, #tpu.memory_space<hbm>> -> memref<100x2x128xi32, #tpu.memory_space<hbm>>
      %dma_wait3A_32 = arith.constant 0 : i32
      %dma_wait3A_33 = arith.constant 0 : i32
      %dma_wait3A_34 = arith.constant 0 : i32
      %dma_wait3A_35 = tpu.memref_slice %arg2[%add3A, %dma_wait3A_32, %dma_wait3A_33, %dma_wait3A_34] : memref<32x100x2x128xi32, #tpu.memory_space<hbm>> -> memref<1x100x2x128xi32, #tpu.memory_space<hbm>>
      %dma_wait3A_36 = tpu.memref_squeeze %dma_wait3A_35 : memref<1x100x2x128xi32, #tpu.memory_space<hbm>> -> memref<100x2x128xi32, #tpu.memory_space<hbm>>
      tpu.wait_dma2 semaphore(%run_scoped3A : memref<!tpu.dma_semaphore, #tpu.memory_space<semaphore_mem>>) src(%dma_wait3A_36 : memref<100x2x128xi32, #tpu.memory_space<hbm>>) dst(%arg6 : memref<100x2x128xi32, #tpu.memory_space<vmem>>)
      tpu.yield
    }) : () -> ()
    %barrier3A = arith.constant 0 : index
    tpu.barrier barrier_id(%barrier3A)
    %while3A = arith.constant 0 : i32
    %while3A_5 = arith.constant 0 : i32
    %while3A_6 = arith.subi %select_n3A, %while3A_5 : i32
    %while3A_7 = arith.addi %while3A_5, %while3A_6 : i32
    %while3A_8 = arith.constant 1 : i32
    %while3A_9 = arith.divsi %while3A_6, %while3A_8 : i32
    %while3A_10 = arith.muli %while3A_9, %while3A_8 : i32
    %while3A_11 = arith.addi %while3A_5, %while3A_10 : i32
    %while3A_12 = arith.constant 1 : i32
    scf.for %while3A_19 = %while3A_5 to %while3A_11 step %while3A_12  : i32 {
      %dma_start3A = arith.constant 0 : i32
      %dma_start3A_20 = arith.constant 0 : i32
      %dma_start3A_21 = tpu.memref_slice %arg6[%while3A_19, %dma_start3A, %dma_start3A_20] : memref<100x2x128xi32, #tpu.memory_space<vmem>> -> memref<1x1x128xi32, #tpu.memory_space<vmem>>
      %dma_start3A_22 = tpu.memref_squeeze %dma_start3A_21 : memref<1x1x128xi32, #tpu.memory_space<vmem>> -> memref<128xi32, #tpu.memory_space<vmem>>
      %dma_start3A_23 = arith.constant 0 : i32
      %dma_start3A_24 = arith.constant 0 : i32
      %dma_start3A_25 = tpu.memref_slice %arg3[%dma_start3A_23, %dma_start3A_24] : memref<10000x128xf32, #tpu.memory_space<hbm>> -> memref<10000x128xf32, #tpu.memory_space<hbm>>
      tpu.enqueue_indirect_dma source(%dma_start3A_25 : memref<10000x128xf32, #tpu.memory_space<hbm>>) target(%arg7 : memref<128x128xf32, #tpu.memory_space<vmem>>) offsets(%dma_start3A_22 : memref<128xi32, #tpu.memory_space<vmem>>) semaphore(%arg9 : memref<!tpu.dma_semaphore, #tpu.memory_space<semaphore_mem>>)
      %dma_wait3A = arith.constant 0 : i32
      %dma_wait3A_26 = arith.constant 0 : i32
      %dma_wait3A_27 = tpu.memref_slice %arg6[%while3A_19, %dma_wait3A, %dma_wait3A_26] : memref<100x2x128xi32, #tpu.memory_space<vmem>> -> memref<1x1x128xi32, #tpu.memory_space<vmem>>
      %dma_wait3A_28 = tpu.memref_squeeze %dma_wait3A_27 : memref<1x1x128xi32, #tpu.memory_space<vmem>> -> memref<128xi32, #tpu.memory_space<vmem>>
      %dma_wait3A_29 = arith.constant 0 : i32
      %dma_wait3A_30 = arith.constant 0 : i32
      %dma_wait3A_31 = tpu.memref_slice %arg3[%dma_wait3A_29, %dma_wait3A_30] : memref<10000x128xf32, #tpu.memory_space<hbm>> -> memref<10000x128xf32, #tpu.memory_space<hbm>>
      tpu.wait_indirect_dma semaphore(%arg9 : memref<!tpu.dma_semaphore, #tpu.memory_space<semaphore_mem>>) src(%dma_wait3A_31 : memref<10000x128xf32, #tpu.memory_space<hbm>>) dst(%arg7 : memref<128x128xf32, #tpu.memory_space<vmem>>)
      %run_scoped3A = arith.constant 1 : i32
      "tpu.region"() ({
        %run_scoped3A_32 = tpu.sem_alloc : memref<!tpu.dma_semaphore, #tpu.memory_space<semaphore_mem>>
        %dma_start3A_33 = arith.constant 0 : i32
        %dma_start3A_34 = tpu.memref_slice %arg6[%while3A_19, %run_scoped3A, %dma_start3A_33] : memref<100x2x128xi32, #tpu.memory_space<vmem>> -> memref<1x1x128xi32, #tpu.memory_space<vmem>>
        %dma_start3A_35 = tpu.memref_squeeze %dma_start3A_34 : memref<1x1x128xi32, #tpu.memory_space<vmem>> -> memref<128xi32, #tpu.memory_space<vmem>>
        %dma_start3A_36 = arith.constant 0 : i32
        %dma_start3A_37 = arith.constant 0 : i32
        %dma_start3A_38 = tpu.memref_slice %arg8[%dma_start3A_36, %dma_start3A_37] : memref<10112x128xf32, #tpu.memory_space<vmem_shared>> -> memref<10112x128xf32, #tpu.memory_space<vmem_shared>>
        tpu.enqueue_indirect_dma source(%arg7 : memref<128x128xf32, #tpu.memory_space<vmem>>) target(%dma_start3A_38 : memref<10112x128xf32, #tpu.memory_space<vmem_shared>>) offsets(%dma_start3A_35 : memref<128xi32, #tpu.memory_space<vmem>>) semaphore(%run_scoped3A_32 : memref<!tpu.dma_semaphore, #tpu.memory_space<semaphore_mem>>) {add = true}
        %dma_wait3A_39 = arith.constant 0 : i32
        %dma_wait3A_40 = tpu.memref_slice %arg6[%while3A_19, %run_scoped3A, %dma_wait3A_39] : memref<100x2x128xi32, #tpu.memory_space<vmem>> -> memref<1x1x128xi32, #tpu.memory_space<vmem>>
        %dma_wait3A_41 = tpu.memref_squeeze %dma_wait3A_40 : memref<1x1x128xi32, #tpu.memory_space<vmem>> -> memref<128xi32, #tpu.memory_space<vmem>>
        %dma_wait3A_42 = arith.constant 0 : i32
        %dma_wait3A_43 = arith.constant 0 : i32
        %dma_wait3A_44 = tpu.memref_slice %arg8[%dma_wait3A_42, %dma_wait3A_43] : memref<10112x128xf32, #tpu.memory_space<vmem_shared>> -> memref<10112x128xf32, #tpu.memory_space<vmem_shared>>
        tpu.wait_indirect_dma semaphore(%run_scoped3A_32 : memref<!tpu.dma_semaphore, #tpu.memory_space<semaphore_mem>>) src(%arg7 : memref<128x128xf32, #tpu.memory_space<vmem>>) dst(%dma_wait3A_44 : memref<10112x128xf32, #tpu.memory_space<vmem_shared>>)
        tpu.yield
      }) : () -> ()
    }
    %while3A_13 = arith.constant 1 : i32
    scf.for %while3A_19 = %while3A_11 to %while3A_7 step %while3A_13  : i32 {
      %dma_start3A = arith.constant 0 : i32
      %dma_start3A_20 = arith.constant 0 : i32
      %dma_start3A_21 = tpu.memref_slice %arg6[%while3A_19, %dma_start3A, %dma_start3A_20] : memref<100x2x128xi32, #tpu.memory_space<vmem>> -> memref<1x1x128xi32, #tpu.memory_space<vmem>>
      %dma_start3A_22 = tpu.memref_squeeze %dma_start3A_21 : memref<1x1x128xi32, #tpu.memory_space<vmem>> -> memref<128xi32, #tpu.memory_space<vmem>>
      %dma_start3A_23 = arith.constant 0 : i32
      %dma_start3A_24 = arith.constant 0 : i32
      %dma_start3A_25 = tpu.memref_slice %arg3[%dma_start3A_23, %dma_start3A_24] : memref<10000x128xf32, #tpu.memory_space<hbm>> -> memref<10000x128xf32, #tpu.memory_space<hbm>>
      tpu.enqueue_indirect_dma source(%dma_start3A_25 : memref<10000x128xf32, #tpu.memory_space<hbm>>) target(%arg7 : memref<128x128xf32, #tpu.memory_space<vmem>>) offsets(%dma_start3A_22 : memref<128xi32, #tpu.memory_space<vmem>>) semaphore(%arg9 : memref<!tpu.dma_semaphore, #tpu.memory_space<semaphore_mem>>)
      %dma_wait3A = arith.constant 0 : i32
      %dma_wait3A_26 = arith.constant 0 : i32
      %dma_wait3A_27 = tpu.memref_slice %arg6[%while3A_19, %dma_wait3A, %dma_wait3A_26] : memref<100x2x128xi32, #tpu.memory_space<vmem>> -> memref<1x1x128xi32, #tpu.memory_space<vmem>>
      %dma_wait3A_28 = tpu.memref_squeeze %dma_wait3A_27 : memref<1x1x128xi32, #tpu.memory_space<vmem>> -> memref<128xi32, #tpu.memory_space<vmem>>
      %dma_wait3A_29 = arith.constant 0 : i32
      %dma_wait3A_30 = arith.constant 0 : i32
      %dma_wait3A_31 = tpu.memref_slice %arg3[%dma_wait3A_29, %dma_wait3A_30] : memref<10000x128xf32, #tpu.memory_space<hbm>> -> memref<10000x128xf32, #tpu.memory_space<hbm>>
      tpu.wait_indirect_dma semaphore(%arg9 : memref<!tpu.dma_semaphore, #tpu.memory_space<semaphore_mem>>) src(%dma_wait3A_31 : memref<10000x128xf32, #tpu.memory_space<hbm>>) dst(%arg7 : memref<128x128xf32, #tpu.memory_space<vmem>>)
      %run_scoped3A = arith.constant 1 : i32
      "tpu.region"() ({
        %run_scoped3A_32 = tpu.sem_alloc : memref<!tpu.dma_semaphore, #tpu.memory_space<semaphore_mem>>
        %dma_start3A_33 = arith.constant 0 : i32
        %dma_start3A_34 = tpu.memref_slice %arg6[%while3A_19, %run_scoped3A, %dma_start3A_33] : memref<100x2x128xi32, #tpu.memory_space<vmem>> -> memref<1x1x128xi32, #tpu.memory_space<vmem>>
        %dma_start3A_35 = tpu.memref_squeeze %dma_start3A_34 : memref<1x1x128xi32, #tpu.memory_space<vmem>> -> memref<128xi32, #tpu.memory_space<vmem>>
        %dma_start3A_36 = arith.constant 0 : i32
        %dma_start3A_37 = arith.constant 0 : i32
        %dma_start3A_38 = tpu.memref_slice %arg8[%dma_start3A_36, %dma_start3A_37] : memref<10112x128xf32, #tpu.memory_space<vmem_shared>> -> memref<10112x128xf32, #tpu.memory_space<vmem_shared>>
        tpu.enqueue_indirect_dma source(%arg7 : memref<128x128xf32, #tpu.memory_space<vmem>>) target(%dma_start3A_38 : memref<10112x128xf32, #tpu.memory_space<vmem_shared>>) offsets(%dma_start3A_35 : memref<128xi32, #tpu.memory_space<vmem>>) semaphore(%run_scoped3A_32 : memref<!tpu.dma_semaphore, #tpu.memory_space<semaphore_mem>>) {add = true}
        %dma_wait3A_39 = arith.constant 0 : i32
        %dma_wait3A_40 = tpu.memref_slice %arg6[%while3A_19, %run_scoped3A, %dma_wait3A_39] : memref<100x2x128xi32, #tpu.memory_space<vmem>> -> memref<1x1x128xi32, #tpu.memory_space<vmem>>
        %dma_wait3A_41 = tpu.memref_squeeze %dma_wait3A_40 : memref<1x1x128xi32, #tpu.memory_space<vmem>> -> memref<128xi32, #tpu.memory_space<vmem>>
        %dma_wait3A_42 = arith.constant 0 : i32
        %dma_wait3A_43 = arith.constant 0 : i32
        %dma_wait3A_44 = tpu.memref_slice %arg8[%dma_wait3A_42, %dma_wait3A_43] : memref<10112x128xf32, #tpu.memory_space<vmem_shared>> -> memref<10112x128xf32, #tpu.memory_space<vmem_shared>>
        tpu.wait_indirect_dma semaphore(%run_scoped3A_32 : memref<!tpu.dma_semaphore, #tpu.memory_space<semaphore_mem>>) src(%arg7 : memref<128x128xf32, #tpu.memory_space<vmem>>) dst(%dma_wait3A_44 : memref<10112x128xf32, #tpu.memory_space<vmem_shared>>)
        tpu.yield
      }) : () -> ()
    }
    %barrier3A_14 = arith.constant 0 : index
    tpu.barrier barrier_id(%barrier3A_14)
    %mul3A_15 = arith.constant 632 : i32
    %mul3A_16 = arith.muli %arg1, %mul3A_15 : i32
    %mul3A_17 = arith.constant 632 : i32
    %mul3A_18 = arith.muli %arg1, %mul3A_17 : i32
    "tpu.region"() ({
      %run_scoped3A = tpu.sem_alloc : memref<!tpu.dma_semaphore, #tpu.memory_space<semaphore_mem>>
      %dma_start3A = arith.constant 0 : i32
      %dma_start3A_19 = tpu.memref_slice %arg5[%arg0, %mul3A_18, %dma_start3A] : memref<2x10112x128xf32, #tpu.memory_space<hbm>> -> memref<1x632x128xf32, #tpu.memory_space<hbm>>
      %dma_start3A_20 = tpu.memref_squeeze %dma_start3A_19 : memref<1x632x128xf32, #tpu.memory_space<hbm>> -> memref<632x128xf32, #tpu.memory_space<hbm>>
      %dma_start3A_21 = arith.constant 0 : i32
      %dma_start3A_22 = tpu.memref_slice %arg8[%mul3A_16, %dma_start3A_21] : memref<10112x128xf32, #tpu.memory_space<vmem_shared>> -> memref<632x128xf32, #tpu.memory_space<vmem_shared>>
      tpu.enqueue_dma source(%dma_start3A_22 : memref<632x128xf32, #tpu.memory_space<vmem_shared>>) target(%dma_start3A_20 : memref<632x128xf32, #tpu.memory_space<hbm>>) target_semaphore(%run_scoped3A : memref<!tpu.dma_semaphore, #tpu.memory_space<semaphore_mem>>)
      %dma_wait3A = arith.constant 0 : i32
      %dma_wait3A_23 = tpu.memref_slice %arg5[%arg0, %mul3A_18, %dma_wait3A] : memref<2x10112x128xf32, #tpu.memory_space<hbm>> -> memref<1x632x128xf32, #tpu.memory_space<hbm>>
      %dma_wait3A_24 = tpu.memref_squeeze %dma_wait3A_23 : memref<1x632x128xf32, #tpu.memory_space<hbm>> -> memref<632x128xf32, #tpu.memory_space<hbm>>
      %dma_wait3A_25 = arith.constant 0 : i32
      %dma_wait3A_26 = tpu.memref_slice %arg8[%mul3A_16, %dma_wait3A_25] : memref<10112x128xf32, #tpu.memory_space<vmem_shared>> -> memref<632x128xf32, #tpu.memory_space<vmem_shared>>
      tpu.wait_dma2 semaphore(%run_scoped3A : memref<!tpu.dma_semaphore, #tpu.memory_space<semaphore_mem>>) src(%dma_wait3A_26 : memref<632x128xf32, #tpu.memory_space<vmem_shared>>) dst(%dma_wait3A_24 : memref<632x128xf32, #tpu.memory_space<hbm>>)
      tpu.yield
    }) : () -> ()
    return
  }
}

#map = affine_map<(d0, d1) -> (0, 0, 0, 0)>
#map1 = affine_map<(d0, d1) -> (0, 0)>
#map2 = affine_map<(d0, d1) -> (0, 0, 0)>
module attributes {stable_mosaic.version = 14 : i64} {
  func.func @deg_kernel(%arg0: i32, %arg1: i32, %arg2: memref<32x100x2x128xi32, #tpu.memory_space<hbm>>, %arg3: memref<128x128xf32, #tpu.memory_space<hbm>>, %arg4: memref<632x128xf32, #tpu.memory_space<hbm>>, %arg5: memref<2x10112x128xf32, #tpu.memory_space<hbm>>, %arg6: memref<100x2x128xi32, #tpu.memory_space<vmem>>, %arg7: memref<128x128xf32, #tpu.memory_space<vmem>>, %arg8: memref<10112x128xf32, #tpu.memory_space<vmem_shared>>, %arg9: memref<!tpu.dma_semaphore, #tpu.memory_space<semaphore_mem>>) attributes {dimension_semantics = [#tpu.dimension_semantics<core_parallel>, #tpu.dimension_semantics<subcore_parallel>], iteration_bounds = array<i64: 2, 16>, scalar_prefetch = 0 : i64, scratch_operands = 4 : i64, tpu.core_type = #tpu.core_type<sc_vector_subcore>, window_params = [{transform_indices = #map}, {transform_indices = #map1}, {transform_indices = #map1}, {transform_indices = #map2}]} {
    %mul3A = arith.constant 2 : i32
    %mul3A_0 = arith.muli %arg1, %mul3A : i32
    %add3A = arith.addi %mul3A_0, %arg0 : i32
    %eq3A = arith.constant 0 : i32
    %eq3A_1 = arith.cmpi eq, %arg0, %eq3A : i32
    %jit3A = arith.constant 100 : i32
    %jit3A_2 = arith.constant 57 : i32
    %select_n3A = arith.select %eq3A_1, %jit3A, %jit3A_2 : i32
    %mul3A_3 = arith.constant 632 : i32
    %mul3A_4 = arith.muli %arg1, %mul3A_3 : i32
    "tpu.region"() ({
      %run_scoped3A = tpu.sem_alloc : memref<!tpu.dma_semaphore, #tpu.memory_space<semaphore_mem>>
      %dma_start3A = arith.constant 0 : i32
      %dma_start3A_29 = tpu.memref_slice %arg8[%mul3A_4, %dma_start3A] : memref<10112x128xf32, #tpu.memory_space<vmem_shared>> -> memref<632x128xf32, #tpu.memory_space<vmem_shared>>
      tpu.enqueue_dma source(%arg4 : memref<632x128xf32, #tpu.memory_space<hbm>>) target(%dma_start3A_29 : memref<632x128xf32, #tpu.memory_space<vmem_shared>>) target_semaphore(%run_scoped3A : memref<!tpu.dma_semaphore, #tpu.memory_space<semaphore_mem>>)
      %dma_wait3A = arith.constant 0 : i32
      %dma_wait3A_30 = tpu.memref_slice %arg8[%mul3A_4, %dma_wait3A] : memref<10112x128xf32, #tpu.memory_space<vmem_shared>> -> memref<632x128xf32, #tpu.memory_space<vmem_shared>>
      tpu.wait_dma2 semaphore(%run_scoped3A : memref<!tpu.dma_semaphore, #tpu.memory_space<semaphore_mem>>) src(%arg4 : memref<632x128xf32, #tpu.memory_space<hbm>>) dst(%dma_wait3A_30 : memref<632x128xf32, #tpu.memory_space<vmem_shared>>)
      tpu.yield
    }) : () -> ()
    "tpu.region"() ({
      %run_scoped3A = tpu.sem_alloc : memref<!tpu.dma_semaphore, #tpu.memory_space<semaphore_mem>>
      tpu.enqueue_dma source(%arg3 : memref<128x128xf32, #tpu.memory_space<hbm>>) target(%arg7 : memref<128x128xf32, #tpu.memory_space<vmem>>) target_semaphore(%run_scoped3A : memref<!tpu.dma_semaphore, #tpu.memory_space<semaphore_mem>>)
      tpu.wait_dma2 semaphore(%run_scoped3A : memref<!tpu.dma_semaphore, #tpu.memory_space<semaphore_mem>>) src(%arg3 : memref<128x128xf32, #tpu.memory_space<hbm>>) dst(%arg7 : memref<128x128xf32, #tpu.memory_space<vmem>>)
      tpu.yield
    }) : () -> ()
    "tpu.region"() ({
      %run_scoped3A = tpu.sem_alloc : memref<!tpu.dma_semaphore, #tpu.memory_space<semaphore_mem>>
      %dma_start3A = arith.constant 0 : i32
      %dma_start3A_29 = arith.constant 0 : i32
      %dma_start3A_30 = arith.constant 0 : i32
      %dma_start3A_31 = tpu.memref_slice %arg2[%add3A, %dma_start3A, %dma_start3A_29, %dma_start3A_30] : memref<32x100x2x128xi32, #tpu.memory_space<hbm>> -> memref<1x100x2x128xi32, #tpu.memory_space<hbm>>
      %dma_start3A_32 = tpu.memref_squeeze %dma_start3A_31 : memref<1x100x2x128xi32, #tpu.memory_space<hbm>> -> memref<100x2x128xi32, #tpu.memory_space<hbm>>
      %dma_start3A_33 = arith.constant 0 : i32
      %dma_start3A_34 = arith.constant 0 : i32
      %dma_start3A_35 = arith.constant 0 : i32
      %dma_start3A_36 = tpu.memref_slice %arg2[%add3A, %dma_start3A_33, %dma_start3A_34, %dma_start3A_35] : memref<32x100x2x128xi32, #tpu.memory_space<hbm>> -> memref<1x100x2x128xi32, #tpu.memory_space<hbm>>
      %dma_start3A_37 = tpu.memref_squeeze %dma_start3A_36 : memref<1x100x2x128xi32, #tpu.memory_space<hbm>> -> memref<100x2x128xi32, #tpu.memory_space<hbm>>
      tpu.enqueue_dma source(%dma_start3A_37 : memref<100x2x128xi32, #tpu.memory_space<hbm>>) target(%arg6 : memref<100x2x128xi32, #tpu.memory_space<vmem>>) target_semaphore(%run_scoped3A : memref<!tpu.dma_semaphore, #tpu.memory_space<semaphore_mem>>)
      %dma_wait3A = arith.constant 0 : i32
      %dma_wait3A_38 = arith.constant 0 : i32
      %dma_wait3A_39 = arith.constant 0 : i32
      %dma_wait3A_40 = tpu.memref_slice %arg2[%add3A, %dma_wait3A, %dma_wait3A_38, %dma_wait3A_39] : memref<32x100x2x128xi32, #tpu.memory_space<hbm>> -> memref<1x100x2x128xi32, #tpu.memory_space<hbm>>
      %dma_wait3A_41 = tpu.memref_squeeze %dma_wait3A_40 : memref<1x100x2x128xi32, #tpu.memory_space<hbm>> -> memref<100x2x128xi32, #tpu.memory_space<hbm>>
      %dma_wait3A_42 = arith.constant 0 : i32
      %dma_wait3A_43 = arith.constant 0 : i32
      %dma_wait3A_44 = arith.constant 0 : i32
      %dma_wait3A_45 = tpu.memref_slice %arg2[%add3A, %dma_wait3A_42, %dma_wait3A_43, %dma_wait3A_44] : memref<32x100x2x128xi32, #tpu.memory_space<hbm>> -> memref<1x100x2x128xi32, #tpu.memory_space<hbm>>
      %dma_wait3A_46 = tpu.memref_squeeze %dma_wait3A_45 : memref<1x100x2x128xi32, #tpu.memory_space<hbm>> -> memref<100x2x128xi32, #tpu.memory_space<hbm>>
      tpu.wait_dma2 semaphore(%run_scoped3A : memref<!tpu.dma_semaphore, #tpu.memory_space<semaphore_mem>>) src(%dma_wait3A_46 : memref<100x2x128xi32, #tpu.memory_space<hbm>>) dst(%arg6 : memref<100x2x128xi32, #tpu.memory_space<vmem>>)
      tpu.yield
    }) : () -> ()
    %barrier3A = arith.constant 0 : index
    tpu.barrier barrier_id(%barrier3A)
    %while3A = arith.constant 0 : i32
    %while3A_5 = arith.constant 0 : i32
    %while3A_6 = arith.subi %select_n3A, %while3A_5 : i32
    %while3A_7 = arith.addi %while3A_5, %while3A_6 : i32
    %while3A_8 = arith.constant 1 : i32
    %while3A_9 = arith.divsi %while3A_6, %while3A_8 : i32
    %while3A_10 = arith.muli %while3A_9, %while3A_8 : i32
    %while3A_11 = arith.addi %while3A_5, %while3A_10 : i32
    %while3A_12 = arith.constant 1 : i32
    scf.for %while3A_29 = %while3A_5 to %while3A_11 step %while3A_12  : i32 {
      %dma_start3A = arith.constant 1 : i32
      %dma_start3A_30 = arith.constant 0 : i32
      %dma_start3A_31 = tpu.memref_slice %arg6[%while3A_29, %dma_start3A, %dma_start3A_30] : memref<100x2x128xi32, #tpu.memory_space<vmem>> -> memref<1x1x128xi32, #tpu.memory_space<vmem>>
      %dma_start3A_32 = tpu.memref_squeeze %dma_start3A_31 : memref<1x1x128xi32, #tpu.memory_space<vmem>> -> memref<128xi32, #tpu.memory_space<vmem>>
      %dma_start3A_33 = arith.constant 0 : i32
      %dma_start3A_34 = arith.constant 0 : i32
      %dma_start3A_35 = tpu.memref_slice %arg8[%dma_start3A_33, %dma_start3A_34] : memref<10112x128xf32, #tpu.memory_space<vmem_shared>> -> memref<10112x128xf32, #tpu.memory_space<vmem_shared>>
      tpu.enqueue_indirect_dma source(%arg7 : memref<128x128xf32, #tpu.memory_space<vmem>>) target(%dma_start3A_35 : memref<10112x128xf32, #tpu.memory_space<vmem_shared>>) offsets(%dma_start3A_32 : memref<128xi32, #tpu.memory_space<vmem>>) semaphore(%arg9 : memref<!tpu.dma_semaphore, #tpu.memory_space<semaphore_mem>>) {add = true}
    }
    %while3A_13 = arith.constant 1 : i32
    scf.for %while3A_29 = %while3A_11 to %while3A_7 step %while3A_13  : i32 {
      %dma_start3A = arith.constant 1 : i32
      %dma_start3A_30 = arith.constant 0 : i32
      %dma_start3A_31 = tpu.memref_slice %arg6[%while3A_29, %dma_start3A, %dma_start3A_30] : memref<100x2x128xi32, #tpu.memory_space<vmem>> -> memref<1x1x128xi32, #tpu.memory_space<vmem>>
      %dma_start3A_32 = tpu.memref_squeeze %dma_start3A_31 : memref<1x1x128xi32, #tpu.memory_space<vmem>> -> memref<128xi32, #tpu.memory_space<vmem>>
      %dma_start3A_33 = arith.constant 0 : i32
      %dma_start3A_34 = arith.constant 0 : i32
      %dma_start3A_35 = tpu.memref_slice %arg8[%dma_start3A_33, %dma_start3A_34] : memref<10112x128xf32, #tpu.memory_space<vmem_shared>> -> memref<10112x128xf32, #tpu.memory_space<vmem_shared>>
      tpu.enqueue_indirect_dma source(%arg7 : memref<128x128xf32, #tpu.memory_space<vmem>>) target(%dma_start3A_35 : memref<10112x128xf32, #tpu.memory_space<vmem_shared>>) offsets(%dma_start3A_32 : memref<128xi32, #tpu.memory_space<vmem>>) semaphore(%arg9 : memref<!tpu.dma_semaphore, #tpu.memory_space<semaphore_mem>>) {add = true}
    }
    %while3A_14 = arith.constant 0 : i32
    %while3A_15 = arith.constant 0 : i32
    %while3A_16 = arith.subi %select_n3A, %while3A_15 : i32
    %while3A_17 = arith.addi %while3A_15, %while3A_16 : i32
    %while3A_18 = arith.constant 1 : i32
    %while3A_19 = arith.divsi %while3A_16, %while3A_18 : i32
    %while3A_20 = arith.muli %while3A_19, %while3A_18 : i32
    %while3A_21 = arith.addi %while3A_15, %while3A_20 : i32
    %while3A_22 = arith.constant 1 : i32
    scf.for %while3A_29 = %while3A_15 to %while3A_21 step %while3A_22  : i32 {
      %dma_wait3A = arith.constant 0 : i32
      %dma_wait3A_30 = arith.constant 1 : i32
      %dma_wait3A_31 = arith.constant 0 : i32
      %dma_wait3A_32 = tpu.memref_slice %arg6[%dma_wait3A, %dma_wait3A_30, %dma_wait3A_31] : memref<100x2x128xi32, #tpu.memory_space<vmem>> -> memref<1x1x128xi32, #tpu.memory_space<vmem>>
      %dma_wait3A_33 = tpu.memref_squeeze %dma_wait3A_32 : memref<1x1x128xi32, #tpu.memory_space<vmem>> -> memref<128xi32, #tpu.memory_space<vmem>>
      %dma_wait3A_34 = arith.constant 0 : i32
      %dma_wait3A_35 = arith.constant 0 : i32
      %dma_wait3A_36 = tpu.memref_slice %arg8[%dma_wait3A_34, %dma_wait3A_35] : memref<10112x128xf32, #tpu.memory_space<vmem_shared>> -> memref<10112x128xf32, #tpu.memory_space<vmem_shared>>
      tpu.wait_indirect_dma semaphore(%arg9 : memref<!tpu.dma_semaphore, #tpu.memory_space<semaphore_mem>>) src(%arg7 : memref<128x128xf32, #tpu.memory_space<vmem>>) dst(%dma_wait3A_36 : memref<10112x128xf32, #tpu.memory_space<vmem_shared>>)
    }
    %while3A_23 = arith.constant 1 : i32
    scf.for %while3A_29 = %while3A_21 to %while3A_17 step %while3A_23  : i32 {
      %dma_wait3A = arith.constant 0 : i32
      %dma_wait3A_30 = arith.constant 1 : i32
      %dma_wait3A_31 = arith.constant 0 : i32
      %dma_wait3A_32 = tpu.memref_slice %arg6[%dma_wait3A, %dma_wait3A_30, %dma_wait3A_31] : memref<100x2x128xi32, #tpu.memory_space<vmem>> -> memref<1x1x128xi32, #tpu.memory_space<vmem>>
      %dma_wait3A_33 = tpu.memref_squeeze %dma_wait3A_32 : memref<1x1x128xi32, #tpu.memory_space<vmem>> -> memref<128xi32, #tpu.memory_space<vmem>>
      %dma_wait3A_34 = arith.constant 0 : i32
      %dma_wait3A_35 = arith.constant 0 : i32
      %dma_wait3A_36 = tpu.memref_slice %arg8[%dma_wait3A_34, %dma_wait3A_35] : memref<10112x128xf32, #tpu.memory_space<vmem_shared>> -> memref<10112x128xf32, #tpu.memory_space<vmem_shared>>
      tpu.wait_indirect_dma semaphore(%arg9 : memref<!tpu.dma_semaphore, #tpu.memory_space<semaphore_mem>>) src(%arg7 : memref<128x128xf32, #tpu.memory_space<vmem>>) dst(%dma_wait3A_36 : memref<10112x128xf32, #tpu.memory_space<vmem_shared>>)
    }
    %barrier3A_24 = arith.constant 0 : index
    tpu.barrier barrier_id(%barrier3A_24)
    %mul3A_25 = arith.constant 632 : i32
    %mul3A_26 = arith.muli %arg1, %mul3A_25 : i32
    %mul3A_27 = arith.constant 632 : i32
    %mul3A_28 = arith.muli %arg1, %mul3A_27 : i32
    "tpu.region"() ({
      %run_scoped3A = tpu.sem_alloc : memref<!tpu.dma_semaphore, #tpu.memory_space<semaphore_mem>>
      %dma_start3A = arith.constant 0 : i32
      %dma_start3A_29 = tpu.memref_slice %arg5[%arg0, %mul3A_28, %dma_start3A] : memref<2x10112x128xf32, #tpu.memory_space<hbm>> -> memref<1x632x128xf32, #tpu.memory_space<hbm>>
      %dma_start3A_30 = tpu.memref_squeeze %dma_start3A_29 : memref<1x632x128xf32, #tpu.memory_space<hbm>> -> memref<632x128xf32, #tpu.memory_space<hbm>>
      %dma_start3A_31 = arith.constant 0 : i32
      %dma_start3A_32 = tpu.memref_slice %arg8[%mul3A_26, %dma_start3A_31] : memref<10112x128xf32, #tpu.memory_space<vmem_shared>> -> memref<632x128xf32, #tpu.memory_space<vmem_shared>>
      tpu.enqueue_dma source(%dma_start3A_32 : memref<632x128xf32, #tpu.memory_space<vmem_shared>>) target(%dma_start3A_30 : memref<632x128xf32, #tpu.memory_space<hbm>>) target_semaphore(%run_scoped3A : memref<!tpu.dma_semaphore, #tpu.memory_space<semaphore_mem>>)
      %dma_wait3A = arith.constant 0 : i32
      %dma_wait3A_33 = tpu.memref_slice %arg5[%arg0, %mul3A_28, %dma_wait3A] : memref<2x10112x128xf32, #tpu.memory_space<hbm>> -> memref<1x632x128xf32, #tpu.memory_space<hbm>>
      %dma_wait3A_34 = tpu.memref_squeeze %dma_wait3A_33 : memref<1x632x128xf32, #tpu.memory_space<hbm>> -> memref<632x128xf32, #tpu.memory_space<hbm>>
      %dma_wait3A_35 = arith.constant 0 : i32
      %dma_wait3A_36 = tpu.memref_slice %arg8[%mul3A_26, %dma_wait3A_35] : memref<10112x128xf32, #tpu.memory_space<vmem_shared>> -> memref<632x128xf32, #tpu.memory_space<vmem_shared>>
      tpu.wait_dma2 semaphore(%run_scoped3A : memref<!tpu.dma_semaphore, #tpu.memory_space<semaphore_mem>>) src(%dma_wait3A_36 : memref<632x128xf32, #tpu.memory_space<vmem_shared>>) dst(%dma_wait3A_34 : memref<632x128xf32, #tpu.memory_space<hbm>>)
      tpu.yield
    }) : () -> ()
    return
  }
}

#map = affine_map<(d0, d1) -> (0, 0, 0, 0)>
#map1 = affine_map<(d0, d1) -> (0, 0)>
#map2 = affine_map<(d0, d1) -> (0, 0, 0)>
module attributes {stable_mosaic.version = 14 : i64} {
  func.func @agg_kernel(%arg0: i32, %arg1: i32, %arg2: memref<32x100x2x128xi32, #tpu.memory_space<hbm>>, %arg3: memref<10000x128xf32, #tpu.memory_space<hbm>>, %arg4: memref<632x128xf32, #tpu.memory_space<hbm>>, %arg5: memref<2x10112x128xf32, #tpu.memory_space<hbm>>, %arg6: memref<100x2x128xi32, #tpu.memory_space<vmem>>, %arg7: memref<128x128xf32, #tpu.memory_space<vmem>>, %arg8: memref<10112x128xf32, #tpu.memory_space<vmem_shared>>, %arg9: memref<!tpu.dma_semaphore, #tpu.memory_space<semaphore_mem>>) attributes {dimension_semantics = [#tpu.dimension_semantics<core_parallel>, #tpu.dimension_semantics<subcore_parallel>], iteration_bounds = array<i64: 2, 16>, scalar_prefetch = 0 : i64, scratch_operands = 4 : i64, tpu.core_type = #tpu.core_type<sc_vector_subcore>, window_params = [{transform_indices = #map}, {transform_indices = #map1}, {transform_indices = #map1}, {transform_indices = #map2}]} {
    %mul3A = arith.constant 2 : i32
    %mul3A_0 = arith.muli %arg1, %mul3A : i32
    %add3A = arith.addi %mul3A_0, %arg0 : i32
    %eq3A = arith.constant 0 : i32
    %eq3A_1 = arith.cmpi eq, %arg0, %eq3A : i32
    %jit3A = arith.constant 100 : i32
    %jit3A_2 = arith.constant 57 : i32
    %select_n3A = arith.select %eq3A_1, %jit3A, %jit3A_2 : i32
    %mul3A_3 = arith.constant 632 : i32
    %mul3A_4 = arith.muli %arg1, %mul3A_3 : i32
    "tpu.region"() ({
      %run_scoped3A = tpu.sem_alloc : memref<!tpu.dma_semaphore, #tpu.memory_space<semaphore_mem>>
      %dma_start3A = arith.constant 0 : i32
      %dma_start3A_19 = tpu.memref_slice %arg8[%mul3A_4, %dma_start3A] : memref<10112x128xf32, #tpu.memory_space<vmem_shared>> -> memref<632x128xf32, #tpu.memory_space<vmem_shared>>
      tpu.enqueue_dma source(%arg4 : memref<632x128xf32, #tpu.memory_space<hbm>>) target(%dma_start3A_19 : memref<632x128xf32, #tpu.memory_space<vmem_shared>>) target_semaphore(%run_scoped3A : memref<!tpu.dma_semaphore, #tpu.memory_space<semaphore_mem>>)
      %dma_wait3A = arith.constant 0 : i32
      %dma_wait3A_20 = tpu.memref_slice %arg8[%mul3A_4, %dma_wait3A] : memref<10112x128xf32, #tpu.memory_space<vmem_shared>> -> memref<632x128xf32, #tpu.memory_space<vmem_shared>>
      tpu.wait_dma2 semaphore(%run_scoped3A : memref<!tpu.dma_semaphore, #tpu.memory_space<semaphore_mem>>) src(%arg4 : memref<632x128xf32, #tpu.memory_space<hbm>>) dst(%dma_wait3A_20 : memref<632x128xf32, #tpu.memory_space<vmem_shared>>)
      tpu.yield
    }) : () -> ()
    "tpu.region"() ({
      %run_scoped3A = tpu.sem_alloc : memref<!tpu.dma_semaphore, #tpu.memory_space<semaphore_mem>>
      %dma_start3A = arith.constant 0 : i32
      %dma_start3A_19 = arith.constant 0 : i32
      %dma_start3A_20 = arith.constant 0 : i32
      %dma_start3A_21 = tpu.memref_slice %arg2[%add3A, %dma_start3A, %dma_start3A_19, %dma_start3A_20] : memref<32x100x2x128xi32, #tpu.memory_space<hbm>> -> memref<1x100x2x128xi32, #tpu.memory_space<hbm>>
      %dma_start3A_22 = tpu.memref_squeeze %dma_start3A_21 : memref<1x100x2x128xi32, #tpu.memory_space<hbm>> -> memref<100x2x128xi32, #tpu.memory_space<hbm>>
      %dma_start3A_23 = arith.constant 0 : i32
      %dma_start3A_24 = arith.constant 0 : i32
      %dma_start3A_25 = arith.constant 0 : i32
      %dma_start3A_26 = tpu.memref_slice %arg2[%add3A, %dma_start3A_23, %dma_start3A_24, %dma_start3A_25] : memref<32x100x2x128xi32, #tpu.memory_space<hbm>> -> memref<1x100x2x128xi32, #tpu.memory_space<hbm>>
      %dma_start3A_27 = tpu.memref_squeeze %dma_start3A_26 : memref<1x100x2x128xi32, #tpu.memory_space<hbm>> -> memref<100x2x128xi32, #tpu.memory_space<hbm>>
      tpu.enqueue_dma source(%dma_start3A_27 : memref<100x2x128xi32, #tpu.memory_space<hbm>>) target(%arg6 : memref<100x2x128xi32, #tpu.memory_space<vmem>>) target_semaphore(%run_scoped3A : memref<!tpu.dma_semaphore, #tpu.memory_space<semaphore_mem>>)
      %dma_wait3A = arith.constant 0 : i32
      %dma_wait3A_28 = arith.constant 0 : i32
      %dma_wait3A_29 = arith.constant 0 : i32
      %dma_wait3A_30 = tpu.memref_slice %arg2[%add3A, %dma_wait3A, %dma_wait3A_28, %dma_wait3A_29] : memref<32x100x2x128xi32, #tpu.memory_space<hbm>> -> memref<1x100x2x128xi32, #tpu.memory_space<hbm>>
      %dma_wait3A_31 = tpu.memref_squeeze %dma_wait3A_30 : memref<1x100x2x128xi32, #tpu.memory_space<hbm>> -> memref<100x2x128xi32, #tpu.memory_space<hbm>>
      %dma_wait3A_32 = arith.constant 0 : i32
      %dma_wait3A_33 = arith.constant 0 : i32
      %dma_wait3A_34 = arith.constant 0 : i32
      %dma_wait3A_35 = tpu.memref_slice %arg2[%add3A, %dma_wait3A_32, %dma_wait3A_33, %dma_wait3A_34] : memref<32x100x2x128xi32, #tpu.memory_space<hbm>> -> memref<1x100x2x128xi32, #tpu.memory_space<hbm>>
      %dma_wait3A_36 = tpu.memref_squeeze %dma_wait3A_35 : memref<1x100x2x128xi32, #tpu.memory_space<hbm>> -> memref<100x2x128xi32, #tpu.memory_space<hbm>>
      tpu.wait_dma2 semaphore(%run_scoped3A : memref<!tpu.dma_semaphore, #tpu.memory_space<semaphore_mem>>) src(%dma_wait3A_36 : memref<100x2x128xi32, #tpu.memory_space<hbm>>) dst(%arg6 : memref<100x2x128xi32, #tpu.memory_space<vmem>>)
      tpu.yield
    }) : () -> ()
    %barrier3A = arith.constant 0 : index
    tpu.barrier barrier_id(%barrier3A)
    %while3A = arith.constant 0 : i32
    %while3A_5 = arith.constant 0 : i32
    %while3A_6 = arith.subi %select_n3A, %while3A_5 : i32
    %while3A_7 = arith.addi %while3A_5, %while3A_6 : i32
    %while3A_8 = arith.constant 1 : i32
    %while3A_9 = arith.divsi %while3A_6, %while3A_8 : i32
    %while3A_10 = arith.muli %while3A_9, %while3A_8 : i32
    %while3A_11 = arith.addi %while3A_5, %while3A_10 : i32
    %while3A_12 = arith.constant 1 : i32
    scf.for %while3A_19 = %while3A_5 to %while3A_11 step %while3A_12  : i32 {
      %dma_start3A = arith.constant 0 : i32
      %dma_start3A_20 = arith.constant 0 : i32
      %dma_start3A_21 = tpu.memref_slice %arg6[%while3A_19, %dma_start3A, %dma_start3A_20] : memref<100x2x128xi32, #tpu.memory_space<vmem>> -> memref<1x1x128xi32, #tpu.memory_space<vmem>>
      %dma_start3A_22 = tpu.memref_squeeze %dma_start3A_21 : memref<1x1x128xi32, #tpu.memory_space<vmem>> -> memref<128xi32, #tpu.memory_space<vmem>>
      %dma_start3A_23 = arith.constant 0 : i32
      %dma_start3A_24 = arith.constant 0 : i32
      %dma_start3A_25 = tpu.memref_slice %arg3[%dma_start3A_23, %dma_start3A_24] : memref<10000x128xf32, #tpu.memory_space<hbm>> -> memref<10000x128xf32, #tpu.memory_space<hbm>>
      tpu.enqueue_indirect_dma source(%dma_start3A_25 : memref<10000x128xf32, #tpu.memory_space<hbm>>) target(%arg7 : memref<128x128xf32, #tpu.memory_space<vmem>>) offsets(%dma_start3A_22 : memref<128xi32, #tpu.memory_space<vmem>>) semaphore(%arg9 : memref<!tpu.dma_semaphore, #tpu.memory_space<semaphore_mem>>)
      %dma_wait3A = arith.constant 0 : i32
      %dma_wait3A_26 = arith.constant 0 : i32
      %dma_wait3A_27 = tpu.memref_slice %arg6[%while3A_19, %dma_wait3A, %dma_wait3A_26] : memref<100x2x128xi32, #tpu.memory_space<vmem>> -> memref<1x1x128xi32, #tpu.memory_space<vmem>>
      %dma_wait3A_28 = tpu.memref_squeeze %dma_wait3A_27 : memref<1x1x128xi32, #tpu.memory_space<vmem>> -> memref<128xi32, #tpu.memory_space<vmem>>
      %dma_wait3A_29 = arith.constant 0 : i32
      %dma_wait3A_30 = arith.constant 0 : i32
      %dma_wait3A_31 = tpu.memref_slice %arg3[%dma_wait3A_29, %dma_wait3A_30] : memref<10000x128xf32, #tpu.memory_space<hbm>> -> memref<10000x128xf32, #tpu.memory_space<hbm>>
      tpu.wait_indirect_dma semaphore(%arg9 : memref<!tpu.dma_semaphore, #tpu.memory_space<semaphore_mem>>) src(%dma_wait3A_31 : memref<10000x128xf32, #tpu.memory_space<hbm>>) dst(%arg7 : memref<128x128xf32, #tpu.memory_space<vmem>>)
      %run_scoped3A = arith.constant 1 : i32
      "tpu.region"() ({
        %run_scoped3A_32 = tpu.sem_alloc : memref<!tpu.dma_semaphore, #tpu.memory_space<semaphore_mem>>
        %dma_start3A_33 = arith.constant 0 : i32
        %dma_start3A_34 = tpu.memref_slice %arg6[%while3A_19, %run_scoped3A, %dma_start3A_33] : memref<100x2x128xi32, #tpu.memory_space<vmem>> -> memref<1x1x128xi32, #tpu.memory_space<vmem>>
        %dma_start3A_35 = tpu.memref_squeeze %dma_start3A_34 : memref<1x1x128xi32, #tpu.memory_space<vmem>> -> memref<128xi32, #tpu.memory_space<vmem>>
        %dma_start3A_36 = arith.constant 0 : i32
        %dma_start3A_37 = arith.constant 0 : i32
        %dma_start3A_38 = tpu.memref_slice %arg8[%dma_start3A_36, %dma_start3A_37] : memref<10112x128xf32, #tpu.memory_space<vmem_shared>> -> memref<10112x128xf32, #tpu.memory_space<vmem_shared>>
        tpu.enqueue_indirect_dma source(%arg7 : memref<128x128xf32, #tpu.memory_space<vmem>>) target(%dma_start3A_38 : memref<10112x128xf32, #tpu.memory_space<vmem_shared>>) offsets(%dma_start3A_35 : memref<128xi32, #tpu.memory_space<vmem>>) semaphore(%run_scoped3A_32 : memref<!tpu.dma_semaphore, #tpu.memory_space<semaphore_mem>>) {add = true}
        %dma_wait3A_39 = arith.constant 0 : i32
        %dma_wait3A_40 = tpu.memref_slice %arg6[%while3A_19, %run_scoped3A, %dma_wait3A_39] : memref<100x2x128xi32, #tpu.memory_space<vmem>> -> memref<1x1x128xi32, #tpu.memory_space<vmem>>
        %dma_wait3A_41 = tpu.memref_squeeze %dma_wait3A_40 : memref<1x1x128xi32, #tpu.memory_space<vmem>> -> memref<128xi32, #tpu.memory_space<vmem>>
        %dma_wait3A_42 = arith.constant 0 : i32
        %dma_wait3A_43 = arith.constant 0 : i32
        %dma_wait3A_44 = tpu.memref_slice %arg8[%dma_wait3A_42, %dma_wait3A_43] : memref<10112x128xf32, #tpu.memory_space<vmem_shared>> -> memref<10112x128xf32, #tpu.memory_space<vmem_shared>>
        tpu.wait_indirect_dma semaphore(%run_scoped3A_32 : memref<!tpu.dma_semaphore, #tpu.memory_space<semaphore_mem>>) src(%arg7 : memref<128x128xf32, #tpu.memory_space<vmem>>) dst(%dma_wait3A_44 : memref<10112x128xf32, #tpu.memory_space<vmem_shared>>)
        tpu.yield
      }) : () -> ()
    }
    %while3A_13 = arith.constant 1 : i32
    scf.for %while3A_19 = %while3A_11 to %while3A_7 step %while3A_13  : i32 {
      %dma_start3A = arith.constant 0 : i32
      %dma_start3A_20 = arith.constant 0 : i32
      %dma_start3A_21 = tpu.memref_slice %arg6[%while3A_19, %dma_start3A, %dma_start3A_20] : memref<100x2x128xi32, #tpu.memory_space<vmem>> -> memref<1x1x128xi32, #tpu.memory_space<vmem>>
      %dma_start3A_22 = tpu.memref_squeeze %dma_start3A_21 : memref<1x1x128xi32, #tpu.memory_space<vmem>> -> memref<128xi32, #tpu.memory_space<vmem>>
      %dma_start3A_23 = arith.constant 0 : i32
      %dma_start3A_24 = arith.constant 0 : i32
      %dma_start3A_25 = tpu.memref_slice %arg3[%dma_start3A_23, %dma_start3A_24] : memref<10000x128xf32, #tpu.memory_space<hbm>> -> memref<10000x128xf32, #tpu.memory_space<hbm>>
      tpu.enqueue_indirect_dma source(%dma_start3A_25 : memref<10000x128xf32, #tpu.memory_space<hbm>>) target(%arg7 : memref<128x128xf32, #tpu.memory_space<vmem>>) offsets(%dma_start3A_22 : memref<128xi32, #tpu.memory_space<vmem>>) semaphore(%arg9 : memref<!tpu.dma_semaphore, #tpu.memory_space<semaphore_mem>>)
      %dma_wait3A = arith.constant 0 : i32
      %dma_wait3A_26 = arith.constant 0 : i32
      %dma_wait3A_27 = tpu.memref_slice %arg6[%while3A_19, %dma_wait3A, %dma_wait3A_26] : memref<100x2x128xi32, #tpu.memory_space<vmem>> -> memref<1x1x128xi32, #tpu.memory_space<vmem>>
      %dma_wait3A_28 = tpu.memref_squeeze %dma_wait3A_27 : memref<1x1x128xi32, #tpu.memory_space<vmem>> -> memref<128xi32, #tpu.memory_space<vmem>>
      %dma_wait3A_29 = arith.constant 0 : i32
      %dma_wait3A_30 = arith.constant 0 : i32
      %dma_wait3A_31 = tpu.memref_slice %arg3[%dma_wait3A_29, %dma_wait3A_30] : memref<10000x128xf32, #tpu.memory_space<hbm>> -> memref<10000x128xf32, #tpu.memory_space<hbm>>
      tpu.wait_indirect_dma semaphore(%arg9 : memref<!tpu.dma_semaphore, #tpu.memory_space<semaphore_mem>>) src(%dma_wait3A_31 : memref<10000x128xf32, #tpu.memory_space<hbm>>) dst(%arg7 : memref<128x128xf32, #tpu.memory_space<vmem>>)
      %run_scoped3A = arith.constant 1 : i32
      "tpu.region"() ({
        %run_scoped3A_32 = tpu.sem_alloc : memref<!tpu.dma_semaphore, #tpu.memory_space<semaphore_mem>>
        %dma_start3A_33 = arith.constant 0 : i32
        %dma_start3A_34 = tpu.memref_slice %arg6[%while3A_19, %run_scoped3A, %dma_start3A_33] : memref<100x2x128xi32, #tpu.memory_space<vmem>> -> memref<1x1x128xi32, #tpu.memory_space<vmem>>
        %dma_start3A_35 = tpu.memref_squeeze %dma_start3A_34 : memref<1x1x128xi32, #tpu.memory_space<vmem>> -> memref<128xi32, #tpu.memory_space<vmem>>
        %dma_start3A_36 = arith.constant 0 : i32
        %dma_start3A_37 = arith.constant 0 : i32
        %dma_start3A_38 = tpu.memref_slice %arg8[%dma_start3A_36, %dma_start3A_37] : memref<10112x128xf32, #tpu.memory_space<vmem_shared>> -> memref<10112x128xf32, #tpu.memory_space<vmem_shared>>
        tpu.enqueue_indirect_dma source(%arg7 : memref<128x128xf32, #tpu.memory_space<vmem>>) target(%dma_start3A_38 : memref<10112x128xf32, #tpu.memory_space<vmem_shared>>) offsets(%dma_start3A_35 : memref<128xi32, #tpu.memory_space<vmem>>) semaphore(%run_scoped3A_32 : memref<!tpu.dma_semaphore, #tpu.memory_space<semaphore_mem>>) {add = true}
        %dma_wait3A_39 = arith.constant 0 : i32
        %dma_wait3A_40 = tpu.memref_slice %arg6[%while3A_19, %run_scoped3A, %dma_wait3A_39] : memref<100x2x128xi32, #tpu.memory_space<vmem>> -> memref<1x1x128xi32, #tpu.memory_space<vmem>>
        %dma_wait3A_41 = tpu.memref_squeeze %dma_wait3A_40 : memref<1x1x128xi32, #tpu.memory_space<vmem>> -> memref<128xi32, #tpu.memory_space<vmem>>
        %dma_wait3A_42 = arith.constant 0 : i32
        %dma_wait3A_43 = arith.constant 0 : i32
        %dma_wait3A_44 = tpu.memref_slice %arg8[%dma_wait3A_42, %dma_wait3A_43] : memref<10112x128xf32, #tpu.memory_space<vmem_shared>> -> memref<10112x128xf32, #tpu.memory_space<vmem_shared>>
        tpu.wait_indirect_dma semaphore(%run_scoped3A_32 : memref<!tpu.dma_semaphore, #tpu.memory_space<semaphore_mem>>) src(%arg7 : memref<128x128xf32, #tpu.memory_space<vmem>>) dst(%dma_wait3A_44 : memref<10112x128xf32, #tpu.memory_space<vmem_shared>>)
        tpu.yield
      }) : () -> ()
    }
    %barrier3A_14 = arith.constant 0 : index
    tpu.barrier barrier_id(%barrier3A_14)
    %mul3A_15 = arith.constant 632 : i32
    %mul3A_16 = arith.muli %arg1, %mul3A_15 : i32
    %mul3A_17 = arith.constant 632 : i32
    %mul3A_18 = arith.muli %arg1, %mul3A_17 : i32
    "tpu.region"() ({
      %run_scoped3A = tpu.sem_alloc : memref<!tpu.dma_semaphore, #tpu.memory_space<semaphore_mem>>
      %dma_start3A = arith.constant 0 : i32
      %dma_start3A_19 = tpu.memref_slice %arg5[%arg0, %mul3A_18, %dma_start3A] : memref<2x10112x128xf32, #tpu.memory_space<hbm>> -> memref<1x632x128xf32, #tpu.memory_space<hbm>>
      %dma_start3A_20 = tpu.memref_squeeze %dma_start3A_19 : memref<1x632x128xf32, #tpu.memory_space<hbm>> -> memref<632x128xf32, #tpu.memory_space<hbm>>
      %dma_start3A_21 = arith.constant 0 : i32
      %dma_start3A_22 = tpu.memref_slice %arg8[%mul3A_16, %dma_start3A_21] : memref<10112x128xf32, #tpu.memory_space<vmem_shared>> -> memref<632x128xf32, #tpu.memory_space<vmem_shared>>
      tpu.enqueue_dma source(%dma_start3A_22 : memref<632x128xf32, #tpu.memory_space<vmem_shared>>) target(%dma_start3A_20 : memref<632x128xf32, #tpu.memory_space<hbm>>) target_semaphore(%run_scoped3A : memref<!tpu.dma_semaphore, #tpu.memory_space<semaphore_mem>>)
      %dma_wait3A = arith.constant 0 : i32
      %dma_wait3A_23 = tpu.memref_slice %arg5[%arg0, %mul3A_18, %dma_wait3A] : memref<2x10112x128xf32, #tpu.memory_space<hbm>> -> memref<1x632x128xf32, #tpu.memory_space<hbm>>
      %dma_wait3A_24 = tpu.memref_squeeze %dma_wait3A_23 : memref<1x632x128xf32, #tpu.memory_space<hbm>> -> memref<632x128xf32, #tpu.memory_space<hbm>>
      %dma_wait3A_25 = arith.constant 0 : i32
      %dma_wait3A_26 = tpu.memref_slice %arg8[%mul3A_16, %dma_wait3A_25] : memref<10112x128xf32, #tpu.memory_space<vmem_shared>> -> memref<632x128xf32, #tpu.memory_space<vmem_shared>>
      tpu.wait_dma2 semaphore(%run_scoped3A : memref<!tpu.dma_semaphore, #tpu.memory_space<semaphore_mem>>) src(%dma_wait3A_26 : memref<632x128xf32, #tpu.memory_space<vmem_shared>>) dst(%dma_wait3A_24 : memref<632x128xf32, #tpu.memory_space<hbm>>)
      tpu.yield
    }) : () -> ()
    return
  }
}

#map = affine_map<(d0, d1) -> (0, 0, 0, 0)>
#map1 = affine_map<(d0, d1) -> (0, 0)>
#map2 = affine_map<(d0, d1) -> (0, 0, 0)>
module attributes {stable_mosaic.version = 14 : i64} {
  func.func @agg_kernel(%arg0: i32, %arg1: i32, %arg2: memref<32x100x2x128xi32, #tpu.memory_space<hbm>>, %arg3: memref<10000x128xf32, #tpu.memory_space<hbm>>, %arg4: memref<632x128xf32, #tpu.memory_space<hbm>>, %arg5: memref<2x10112x128xf32, #tpu.memory_space<hbm>>, %arg6: memref<100x2x128xi32, #tpu.memory_space<vmem>>, %arg7: memref<128x128xf32, #tpu.memory_space<vmem>>, %arg8: memref<10112x128xf32, #tpu.memory_space<vmem_shared>>, %arg9: memref<!tpu.dma_semaphore, #tpu.memory_space<semaphore_mem>>) attributes {dimension_semantics = [#tpu.dimension_semantics<core_parallel>, #tpu.dimension_semantics<subcore_parallel>], iteration_bounds = array<i64: 2, 16>, scalar_prefetch = 0 : i64, scratch_operands = 4 : i64, tpu.core_type = #tpu.core_type<sc_vector_subcore>, window_params = [{transform_indices = #map}, {transform_indices = #map1}, {transform_indices = #map1}, {transform_indices = #map2}]} {
    %mul3A = arith.constant 2 : i32
    %mul3A_0 = arith.muli %arg1, %mul3A : i32
    %add3A = arith.addi %mul3A_0, %arg0 : i32
    %eq3A = arith.constant 0 : i32
    %eq3A_1 = arith.cmpi eq, %arg0, %eq3A : i32
    %jit3A = arith.constant 100 : i32
    %jit3A_2 = arith.constant 57 : i32
    %select_n3A = arith.select %eq3A_1, %jit3A, %jit3A_2 : i32
    %mul3A_3 = arith.constant 632 : i32
    %mul3A_4 = arith.muli %arg1, %mul3A_3 : i32
    "tpu.region"() ({
      %run_scoped3A = tpu.sem_alloc : memref<!tpu.dma_semaphore, #tpu.memory_space<semaphore_mem>>
      %dma_start3A = arith.constant 0 : i32
      %dma_start3A_19 = tpu.memref_slice %arg8[%mul3A_4, %dma_start3A] : memref<10112x128xf32, #tpu.memory_space<vmem_shared>> -> memref<632x128xf32, #tpu.memory_space<vmem_shared>>
      tpu.enqueue_dma source(%arg4 : memref<632x128xf32, #tpu.memory_space<hbm>>) target(%dma_start3A_19 : memref<632x128xf32, #tpu.memory_space<vmem_shared>>) target_semaphore(%run_scoped3A : memref<!tpu.dma_semaphore, #tpu.memory_space<semaphore_mem>>)
      %dma_wait3A = arith.constant 0 : i32
      %dma_wait3A_20 = tpu.memref_slice %arg8[%mul3A_4, %dma_wait3A] : memref<10112x128xf32, #tpu.memory_space<vmem_shared>> -> memref<632x128xf32, #tpu.memory_space<vmem_shared>>
      tpu.wait_dma2 semaphore(%run_scoped3A : memref<!tpu.dma_semaphore, #tpu.memory_space<semaphore_mem>>) src(%arg4 : memref<632x128xf32, #tpu.memory_space<hbm>>) dst(%dma_wait3A_20 : memref<632x128xf32, #tpu.memory_space<vmem_shared>>)
      tpu.yield
    }) : () -> ()
    "tpu.region"() ({
      %run_scoped3A = tpu.sem_alloc : memref<!tpu.dma_semaphore, #tpu.memory_space<semaphore_mem>>
      %dma_start3A = arith.constant 0 : i32
      %dma_start3A_19 = arith.constant 0 : i32
      %dma_start3A_20 = arith.constant 0 : i32
      %dma_start3A_21 = tpu.memref_slice %arg2[%add3A, %dma_start3A, %dma_start3A_19, %dma_start3A_20] : memref<32x100x2x128xi32, #tpu.memory_space<hbm>> -> memref<1x100x2x128xi32, #tpu.memory_space<hbm>>
      %dma_start3A_22 = tpu.memref_squeeze %dma_start3A_21 : memref<1x100x2x128xi32, #tpu.memory_space<hbm>> -> memref<100x2x128xi32, #tpu.memory_space<hbm>>
      %dma_start3A_23 = arith.constant 0 : i32
      %dma_start3A_24 = arith.constant 0 : i32
      %dma_start3A_25 = arith.constant 0 : i32
      %dma_start3A_26 = tpu.memref_slice %arg2[%add3A, %dma_start3A_23, %dma_start3A_24, %dma_start3A_25] : memref<32x100x2x128xi32, #tpu.memory_space<hbm>> -> memref<1x100x2x128xi32, #tpu.memory_space<hbm>>
      %dma_start3A_27 = tpu.memref_squeeze %dma_start3A_26 : memref<1x100x2x128xi32, #tpu.memory_space<hbm>> -> memref<100x2x128xi32, #tpu.memory_space<hbm>>
      tpu.enqueue_dma source(%dma_start3A_27 : memref<100x2x128xi32, #tpu.memory_space<hbm>>) target(%arg6 : memref<100x2x128xi32, #tpu.memory_space<vmem>>) target_semaphore(%run_scoped3A : memref<!tpu.dma_semaphore, #tpu.memory_space<semaphore_mem>>)
      %dma_wait3A = arith.constant 0 : i32
      %dma_wait3A_28 = arith.constant 0 : i32
      %dma_wait3A_29 = arith.constant 0 : i32
      %dma_wait3A_30 = tpu.memref_slice %arg2[%add3A, %dma_wait3A, %dma_wait3A_28, %dma_wait3A_29] : memref<32x100x2x128xi32, #tpu.memory_space<hbm>> -> memref<1x100x2x128xi32, #tpu.memory_space<hbm>>
      %dma_wait3A_31 = tpu.memref_squeeze %dma_wait3A_30 : memref<1x100x2x128xi32, #tpu.memory_space<hbm>> -> memref<100x2x128xi32, #tpu.memory_space<hbm>>
      %dma_wait3A_32 = arith.constant 0 : i32
      %dma_wait3A_33 = arith.constant 0 : i32
      %dma_wait3A_34 = arith.constant 0 : i32
      %dma_wait3A_35 = tpu.memref_slice %arg2[%add3A, %dma_wait3A_32, %dma_wait3A_33, %dma_wait3A_34] : memref<32x100x2x128xi32, #tpu.memory_space<hbm>> -> memref<1x100x2x128xi32, #tpu.memory_space<hbm>>
      %dma_wait3A_36 = tpu.memref_squeeze %dma_wait3A_35 : memref<1x100x2x128xi32, #tpu.memory_space<hbm>> -> memref<100x2x128xi32, #tpu.memory_space<hbm>>
      tpu.wait_dma2 semaphore(%run_scoped3A : memref<!tpu.dma_semaphore, #tpu.memory_space<semaphore_mem>>) src(%dma_wait3A_36 : memref<100x2x128xi32, #tpu.memory_space<hbm>>) dst(%arg6 : memref<100x2x128xi32, #tpu.memory_space<vmem>>)
      tpu.yield
    }) : () -> ()
    %barrier3A = arith.constant 0 : index
    tpu.barrier barrier_id(%barrier3A)
    %while3A = arith.constant 0 : i32
    %while3A_5 = arith.constant 0 : i32
    %while3A_6 = arith.subi %select_n3A, %while3A_5 : i32
    %while3A_7 = arith.addi %while3A_5, %while3A_6 : i32
    %while3A_8 = arith.constant 1 : i32
    %while3A_9 = arith.divsi %while3A_6, %while3A_8 : i32
    %while3A_10 = arith.muli %while3A_9, %while3A_8 : i32
    %while3A_11 = arith.addi %while3A_5, %while3A_10 : i32
    %while3A_12 = arith.constant 1 : i32
    scf.for %while3A_19 = %while3A_5 to %while3A_11 step %while3A_12  : i32 {
      %dma_start3A = arith.constant 0 : i32
      %dma_start3A_20 = arith.constant 0 : i32
      %dma_start3A_21 = tpu.memref_slice %arg6[%while3A_19, %dma_start3A, %dma_start3A_20] : memref<100x2x128xi32, #tpu.memory_space<vmem>> -> memref<1x1x128xi32, #tpu.memory_space<vmem>>
      %dma_start3A_22 = tpu.memref_squeeze %dma_start3A_21 : memref<1x1x128xi32, #tpu.memory_space<vmem>> -> memref<128xi32, #tpu.memory_space<vmem>>
      %dma_start3A_23 = arith.constant 0 : i32
      %dma_start3A_24 = arith.constant 0 : i32
      %dma_start3A_25 = tpu.memref_slice %arg3[%dma_start3A_23, %dma_start3A_24] : memref<10000x128xf32, #tpu.memory_space<hbm>> -> memref<10000x128xf32, #tpu.memory_space<hbm>>
      tpu.enqueue_indirect_dma source(%dma_start3A_25 : memref<10000x128xf32, #tpu.memory_space<hbm>>) target(%arg7 : memref<128x128xf32, #tpu.memory_space<vmem>>) offsets(%dma_start3A_22 : memref<128xi32, #tpu.memory_space<vmem>>) semaphore(%arg9 : memref<!tpu.dma_semaphore, #tpu.memory_space<semaphore_mem>>)
      %dma_wait3A = arith.constant 0 : i32
      %dma_wait3A_26 = arith.constant 0 : i32
      %dma_wait3A_27 = tpu.memref_slice %arg6[%while3A_19, %dma_wait3A, %dma_wait3A_26] : memref<100x2x128xi32, #tpu.memory_space<vmem>> -> memref<1x1x128xi32, #tpu.memory_space<vmem>>
      %dma_wait3A_28 = tpu.memref_squeeze %dma_wait3A_27 : memref<1x1x128xi32, #tpu.memory_space<vmem>> -> memref<128xi32, #tpu.memory_space<vmem>>
      %dma_wait3A_29 = arith.constant 0 : i32
      %dma_wait3A_30 = arith.constant 0 : i32
      %dma_wait3A_31 = tpu.memref_slice %arg3[%dma_wait3A_29, %dma_wait3A_30] : memref<10000x128xf32, #tpu.memory_space<hbm>> -> memref<10000x128xf32, #tpu.memory_space<hbm>>
      tpu.wait_indirect_dma semaphore(%arg9 : memref<!tpu.dma_semaphore, #tpu.memory_space<semaphore_mem>>) src(%dma_wait3A_31 : memref<10000x128xf32, #tpu.memory_space<hbm>>) dst(%arg7 : memref<128x128xf32, #tpu.memory_space<vmem>>)
      %run_scoped3A = arith.constant 1 : i32
      "tpu.region"() ({
        %run_scoped3A_32 = tpu.sem_alloc : memref<!tpu.dma_semaphore, #tpu.memory_space<semaphore_mem>>
        %dma_start3A_33 = arith.constant 0 : i32
        %dma_start3A_34 = tpu.memref_slice %arg6[%while3A_19, %run_scoped3A, %dma_start3A_33] : memref<100x2x128xi32, #tpu.memory_space<vmem>> -> memref<1x1x128xi32, #tpu.memory_space<vmem>>
        %dma_start3A_35 = tpu.memref_squeeze %dma_start3A_34 : memref<1x1x128xi32, #tpu.memory_space<vmem>> -> memref<128xi32, #tpu.memory_space<vmem>>
        %dma_start3A_36 = arith.constant 0 : i32
        %dma_start3A_37 = arith.constant 0 : i32
        %dma_start3A_38 = tpu.memref_slice %arg8[%dma_start3A_36, %dma_start3A_37] : memref<10112x128xf32, #tpu.memory_space<vmem_shared>> -> memref<10112x128xf32, #tpu.memory_space<vmem_shared>>
        tpu.enqueue_indirect_dma source(%arg7 : memref<128x128xf32, #tpu.memory_space<vmem>>) target(%dma_start3A_38 : memref<10112x128xf32, #tpu.memory_space<vmem_shared>>) offsets(%dma_start3A_35 : memref<128xi32, #tpu.memory_space<vmem>>) semaphore(%run_scoped3A_32 : memref<!tpu.dma_semaphore, #tpu.memory_space<semaphore_mem>>) {add = true}
        %dma_wait3A_39 = arith.constant 0 : i32
        %dma_wait3A_40 = tpu.memref_slice %arg6[%while3A_19, %run_scoped3A, %dma_wait3A_39] : memref<100x2x128xi32, #tpu.memory_space<vmem>> -> memref<1x1x128xi32, #tpu.memory_space<vmem>>
        %dma_wait3A_41 = tpu.memref_squeeze %dma_wait3A_40 : memref<1x1x128xi32, #tpu.memory_space<vmem>> -> memref<128xi32, #tpu.memory_space<vmem>>
        %dma_wait3A_42 = arith.constant 0 : i32
        %dma_wait3A_43 = arith.constant 0 : i32
        %dma_wait3A_44 = tpu.memref_slice %arg8[%dma_wait3A_42, %dma_wait3A_43] : memref<10112x128xf32, #tpu.memory_space<vmem_shared>> -> memref<10112x128xf32, #tpu.memory_space<vmem_shared>>
        tpu.wait_indirect_dma semaphore(%run_scoped3A_32 : memref<!tpu.dma_semaphore, #tpu.memory_space<semaphore_mem>>) src(%arg7 : memref<128x128xf32, #tpu.memory_space<vmem>>) dst(%dma_wait3A_44 : memref<10112x128xf32, #tpu.memory_space<vmem_shared>>)
        tpu.yield
      }) : () -> ()
    }
    %while3A_13 = arith.constant 1 : i32
    scf.for %while3A_19 = %while3A_11 to %while3A_7 step %while3A_13  : i32 {
      %dma_start3A = arith.constant 0 : i32
      %dma_start3A_20 = arith.constant 0 : i32
      %dma_start3A_21 = tpu.memref_slice %arg6[%while3A_19, %dma_start3A, %dma_start3A_20] : memref<100x2x128xi32, #tpu.memory_space<vmem>> -> memref<1x1x128xi32, #tpu.memory_space<vmem>>
      %dma_start3A_22 = tpu.memref_squeeze %dma_start3A_21 : memref<1x1x128xi32, #tpu.memory_space<vmem>> -> memref<128xi32, #tpu.memory_space<vmem>>
      %dma_start3A_23 = arith.constant 0 : i32
      %dma_start3A_24 = arith.constant 0 : i32
      %dma_start3A_25 = tpu.memref_slice %arg3[%dma_start3A_23, %dma_start3A_24] : memref<10000x128xf32, #tpu.memory_space<hbm>> -> memref<10000x128xf32, #tpu.memory_space<hbm>>
      tpu.enqueue_indirect_dma source(%dma_start3A_25 : memref<10000x128xf32, #tpu.memory_space<hbm>>) target(%arg7 : memref<128x128xf32, #tpu.memory_space<vmem>>) offsets(%dma_start3A_22 : memref<128xi32, #tpu.memory_space<vmem>>) semaphore(%arg9 : memref<!tpu.dma_semaphore, #tpu.memory_space<semaphore_mem>>)
      %dma_wait3A = arith.constant 0 : i32
      %dma_wait3A_26 = arith.constant 0 : i32
      %dma_wait3A_27 = tpu.memref_slice %arg6[%while3A_19, %dma_wait3A, %dma_wait3A_26] : memref<100x2x128xi32, #tpu.memory_space<vmem>> -> memref<1x1x128xi32, #tpu.memory_space<vmem>>
      %dma_wait3A_28 = tpu.memref_squeeze %dma_wait3A_27 : memref<1x1x128xi32, #tpu.memory_space<vmem>> -> memref<128xi32, #tpu.memory_space<vmem>>
      %dma_wait3A_29 = arith.constant 0 : i32
      %dma_wait3A_30 = arith.constant 0 : i32
      %dma_wait3A_31 = tpu.memref_slice %arg3[%dma_wait3A_29, %dma_wait3A_30] : memref<10000x128xf32, #tpu.memory_space<hbm>> -> memref<10000x128xf32, #tpu.memory_space<hbm>>
      tpu.wait_indirect_dma semaphore(%arg9 : memref<!tpu.dma_semaphore, #tpu.memory_space<semaphore_mem>>) src(%dma_wait3A_31 : memref<10000x128xf32, #tpu.memory_space<hbm>>) dst(%arg7 : memref<128x128xf32, #tpu.memory_space<vmem>>)
      %run_scoped3A = arith.constant 1 : i32
      "tpu.region"() ({
        %run_scoped3A_32 = tpu.sem_alloc : memref<!tpu.dma_semaphore, #tpu.memory_space<semaphore_mem>>
        %dma_start3A_33 = arith.constant 0 : i32
        %dma_start3A_34 = tpu.memref_slice %arg6[%while3A_19, %run_scoped3A, %dma_start3A_33] : memref<100x2x128xi32, #tpu.memory_space<vmem>> -> memref<1x1x128xi32, #tpu.memory_space<vmem>>
        %dma_start3A_35 = tpu.memref_squeeze %dma_start3A_34 : memref<1x1x128xi32, #tpu.memory_space<vmem>> -> memref<128xi32, #tpu.memory_space<vmem>>
        %dma_start3A_36 = arith.constant 0 : i32
        %dma_start3A_37 = arith.constant 0 : i32
        %dma_start3A_38 = tpu.memref_slice %arg8[%dma_start3A_36, %dma_start3A_37] : memref<10112x128xf32, #tpu.memory_space<vmem_shared>> -> memref<10112x128xf32, #tpu.memory_space<vmem_shared>>
        tpu.enqueue_indirect_dma source(%arg7 : memref<128x128xf32, #tpu.memory_space<vmem>>) target(%dma_start3A_38 : memref<10112x128xf32, #tpu.memory_space<vmem_shared>>) offsets(%dma_start3A_35 : memref<128xi32, #tpu.memory_space<vmem>>) semaphore(%run_scoped3A_32 : memref<!tpu.dma_semaphore, #tpu.memory_space<semaphore_mem>>) {add = true}
        %dma_wait3A_39 = arith.constant 0 : i32
        %dma_wait3A_40 = tpu.memref_slice %arg6[%while3A_19, %run_scoped3A, %dma_wait3A_39] : memref<100x2x128xi32, #tpu.memory_space<vmem>> -> memref<1x1x128xi32, #tpu.memory_space<vmem>>
        %dma_wait3A_41 = tpu.memref_squeeze %dma_wait3A_40 : memref<1x1x128xi32, #tpu.memory_space<vmem>> -> memref<128xi32, #tpu.memory_space<vmem>>
        %dma_wait3A_42 = arith.constant 0 : i32
        %dma_wait3A_43 = arith.constant 0 : i32
        %dma_wait3A_44 = tpu.memref_slice %arg8[%dma_wait3A_42, %dma_wait3A_43] : memref<10112x128xf32, #tpu.memory_space<vmem_shared>> -> memref<10112x128xf32, #tpu.memory_space<vmem_shared>>
        tpu.wait_indirect_dma semaphore(%run_scoped3A_32 : memref<!tpu.dma_semaphore, #tpu.memory_space<semaphore_mem>>) src(%arg7 : memref<128x128xf32, #tpu.memory_space<vmem>>) dst(%dma_wait3A_44 : memref<10112x128xf32, #tpu.memory_space<vmem_shared>>)
        tpu.yield
      }) : () -> ()
    }
    %barrier3A_14 = arith.constant 0 : index
    tpu.barrier barrier_id(%barrier3A_14)
    %mul3A_15 = arith.constant 632 : i32
    %mul3A_16 = arith.muli %arg1, %mul3A_15 : i32
    %mul3A_17 = arith.constant 632 : i32
    %mul3A_18 = arith.muli %arg1, %mul3A_17 : i32
    "tpu.region"() ({
      %run_scoped3A = tpu.sem_alloc : memref<!tpu.dma_semaphore, #tpu.memory_space<semaphore_mem>>
      %dma_start3A = arith.constant 0 : i32
      %dma_start3A_19 = tpu.memref_slice %arg5[%arg0, %mul3A_18, %dma_start3A] : memref<2x10112x128xf32, #tpu.memory_space<hbm>> -> memref<1x632x128xf32, #tpu.memory_space<hbm>>
      %dma_start3A_20 = tpu.memref_squeeze %dma_start3A_19 : memref<1x632x128xf32, #tpu.memory_space<hbm>> -> memref<632x128xf32, #tpu.memory_space<hbm>>
      %dma_start3A_21 = arith.constant 0 : i32
      %dma_start3A_22 = tpu.memref_slice %arg8[%mul3A_16, %dma_start3A_21] : memref<10112x128xf32, #tpu.memory_space<vmem_shared>> -> memref<632x128xf32, #tpu.memory_space<vmem_shared>>
      tpu.enqueue_dma source(%dma_start3A_22 : memref<632x128xf32, #tpu.memory_space<vmem_shared>>) target(%dma_start3A_20 : memref<632x128xf32, #tpu.memory_space<hbm>>) target_semaphore(%run_scoped3A : memref<!tpu.dma_semaphore, #tpu.memory_space<semaphore_mem>>)
      %dma_wait3A = arith.constant 0 : i32
      %dma_wait3A_23 = tpu.memref_slice %arg5[%arg0, %mul3A_18, %dma_wait3A] : memref<2x10112x128xf32, #tpu.memory_space<hbm>> -> memref<1x632x128xf32, #tpu.memory_space<hbm>>
      %dma_wait3A_24 = tpu.memref_squeeze %dma_wait3A_23 : memref<1x632x128xf32, #tpu.memory_space<hbm>> -> memref<632x128xf32, #tpu.memory_space<hbm>>
      %dma_wait3A_25 = arith.constant 0 : i32
      %dma_wait3A_26 = tpu.memref_slice %arg8[%mul3A_16, %dma_wait3A_25] : memref<10112x128xf32, #tpu.memory_space<vmem_shared>> -> memref<632x128xf32, #tpu.memory_space<vmem_shared>>
      tpu.wait_dma2 semaphore(%run_scoped3A : memref<!tpu.dma_semaphore, #tpu.memory_space<semaphore_mem>>) src(%dma_wait3A_26 : memref<632x128xf32, #tpu.memory_space<vmem_shared>>) dst(%dma_wait3A_24 : memref<632x128xf32, #tpu.memory_space<hbm>>)
      tpu.yield
    }) : () -> ()
    return
  }
}

module attributes {stable_mosaic.version = 14 : i64} {
  func.func @body(%arg0: memref<10000x128xf32, #tpu.memory_space<vmem>>, %arg1: memref<128x128xf32, #tpu.memory_space<vmem>>, %arg2: memref<2x10112x128xf32, #tpu.memory_space<vmem>>, %arg3: memref<10000x1xf32, #tpu.memory_space<vmem>>, %arg4: memref<10000x128xf32, #tpu.memory_space<vmem>>, %arg5: memref<10000x128xf32, #tpu.memory_space<vmem>>) attributes {dimension_semantics = [], scalar_prefetch = 0 : i64, scratch_operands = 0 : i64, tpu.core_type = #tpu.core_type<tc>} {
    %get3A = arith.constant 0 : index
    %get3A_0 = arith.constant 0 : index
    %get3A_1 = arith.constant 0 : index
    %get3A_2 = vector.load %arg2[%get3A, %get3A_0, %get3A_1] : memref<2x10112x128xf32, #tpu.memory_space<vmem>>, vector<1x10000x1xf32>
    %get3A_3 = vector.shape_cast %get3A_2 : vector<1x10000x1xf32> to vector<10000x1xf32>
    %get3A_4 = arith.constant 1 : index
    %get3A_5 = arith.constant 0 : index
    %get3A_6 = arith.constant 0 : index
    %get3A_7 = vector.load %arg2[%get3A_4, %get3A_5, %get3A_6] : memref<2x10112x128xf32, #tpu.memory_space<vmem>>, vector<1x10000x1xf32>
    %get3A_8 = vector.shape_cast %get3A_7 : vector<1x10000x1xf32> to vector<10000x1xf32>
    %add3A = arith.addf %get3A_3, %get3A_8 : vector<10000x1xf32>
    %add3A_9 = arith.constant 1.000000e+00 : f32
    %add3A_10 = vector.broadcast %add3A_9 : f32 to vector<10000x1xf32>
    %add3A_11 = arith.addf %add3A, %add3A_10 : vector<10000x1xf32>
    %rsqrt3A = math.rsqrt %add3A_11 : vector<10000x1xf32>
    %get3A_12 = arith.constant 0 : index
    %get3A_13 = arith.constant 0 : index
    %get3A_14 = vector.load %arg0[%get3A_12, %get3A_13] : memref<10000x128xf32, #tpu.memory_space<vmem>>, vector<10000x128xf32>
    %get3A_15 = arith.constant 0 : index
    %get3A_16 = arith.constant 0 : index
    %get3A_17 = vector.load %arg1[%get3A_15, %get3A_16] : memref<128x128xf32, #tpu.memory_space<vmem>>, vector<128x128xf32>
    %dot_general3A = arith.constant dense<0.000000e+00> : vector<10000x128xf32>
    %dot_general3A_18 = tpu.matmul %get3A_14, %get3A_17, %dot_general3A {dimension_numbers = #tpu.dot_dimension_numbers<[1], [0], [0], [1], [0, 0, 1, 1], [], []>, transpose_lhs_hint = false} : vector<10000x128xf32>, vector<128x128xf32>, vector<10000x128xf32> -> vector<10000x128xf32>
    %swap3A = arith.constant 0 : index
    %swap3A_19 = arith.constant 0 : index
    %swap3A_20 = vector.load %arg3[%swap3A, %swap3A_19] : memref<10000x1xf32, #tpu.memory_space<vmem>>, vector<10000x1xf32>
    tpu.vector_store %arg3[%swap3A, %swap3A_19], %rsqrt3A {strides = array<i32>} : memref<10000x1xf32, #tpu.memory_space<vmem>>, vector<10000x1xf32>,
    %swap3A_21 = arith.constant 0 : index
    %swap3A_22 = arith.constant 0 : index
    %swap3A_23 = vector.load %arg4[%swap3A_21, %swap3A_22] : memref<10000x128xf32, #tpu.memory_space<vmem>>, vector<10000x128xf32>
    tpu.vector_store %arg4[%swap3A_21, %swap3A_22], %dot_general3A_18 {strides = array<i32>} : memref<10000x128xf32, #tpu.memory_space<vmem>>, vector<10000x128xf32>,
    %mul3A = vector.broadcast %rsqrt3A : vector<10000x1xf32> to vector<10000x128xf32>
    %mul3A_24 = arith.mulf %dot_general3A_18, %mul3A : vector<10000x128xf32>
    %swap3A_25 = arith.constant 0 : index
    %swap3A_26 = arith.constant 0 : index
    %swap3A_27 = vector.load %arg5[%swap3A_25, %swap3A_26] : memref<10000x128xf32, #tpu.memory_space<vmem>>, vector<10000x128xf32>
    tpu.vector_store %arg5[%swap3A_25, %swap3A_26], %mul3A_24 {strides = array<i32>} : memref<10000x128xf32, #tpu.memory_space<vmem>>, vector<10000x128xf32>,
    return
  }
}

module attributes {stable_mosaic.version = 14 : i64} {
  func.func @body(%arg0: memref<2x10112x128xf32, #tpu.memory_space<vmem>>, %arg1: memref<10000x128xf32, #tpu.memory_space<vmem>>, %arg2: memref<10000x1xf32, #tpu.memory_space<vmem>>, %arg3: memref<1x128xf32, #tpu.memory_space<vmem>>, %arg4: memref<1x128xf32, #tpu.memory_space<vmem>>, %arg5: memref<1x128xf32, #tpu.memory_space<vmem>>, %arg6: memref<128x128xf32, #tpu.memory_space<vmem>>, %arg7: memref<10000x128xf32, #tpu.memory_space<vmem>>, %arg8: memref<10000x128xf32, #tpu.memory_space<vmem>>) attributes {dimension_semantics = [], scalar_prefetch = 0 : i64, scratch_operands = 0 : i64, tpu.core_type = #tpu.core_type<tc>} {
    %get3A = arith.constant 0 : index
    %get3A_0 = arith.constant 0 : index
    %get3A_1 = vector.load %arg2[%get3A, %get3A_0] : memref<10000x1xf32, #tpu.memory_space<vmem>>, vector<10000x1xf32>
    %get3A_2 = arith.constant 0 : index
    %get3A_3 = arith.constant 0 : index
    %get3A_4 = vector.load %arg1[%get3A_2, %get3A_3] : memref<10000x128xf32, #tpu.memory_space<vmem>>, vector<10000x128xf32>
    %get3A_5 = arith.constant 0 : index
    %get3A_6 = arith.constant 0 : index
    %get3A_7 = arith.constant 0 : index
    %get3A_8 = vector.load %arg0[%get3A_5, %get3A_6, %get3A_7] : memref<2x10112x128xf32, #tpu.memory_space<vmem>>, vector<1x10000x128xf32>
    %get3A_9 = vector.shape_cast %get3A_8 : vector<1x10000x128xf32> to vector<10000x128xf32>
    %get3A_10 = arith.constant 1 : index
    %get3A_11 = arith.constant 0 : index
    %get3A_12 = arith.constant 0 : index
    %get3A_13 = vector.load %arg0[%get3A_10, %get3A_11, %get3A_12] : memref<2x10112x128xf32, #tpu.memory_space<vmem>>, vector<1x10000x128xf32>
    %get3A_14 = vector.shape_cast %get3A_13 : vector<1x10000x128xf32> to vector<10000x128xf32>
    %add3A = arith.addf %get3A_9, %get3A_14 : vector<10000x128xf32>
    %mul3A = vector.broadcast %get3A_1 : vector<10000x1xf32> to vector<10000x128xf32>
    %mul3A_15 = arith.mulf %mul3A, %add3A : vector<10000x128xf32>
    %mul3A_16 = arith.mulf %get3A_1, %get3A_1 : vector<10000x1xf32>
    %mul3A_17 = vector.broadcast %mul3A_16 : vector<10000x1xf32> to vector<10000x128xf32>
    %mul3A_18 = arith.mulf %mul3A_17, %get3A_4 : vector<10000x128xf32>
    %add3A_19 = arith.addf %mul3A_15, %mul3A_18 : vector<10000x128xf32>
    %get3A_20 = arith.constant 0 : index
    %get3A_21 = arith.constant 0 : index
    %get3A_22 = vector.load %arg3[%get3A_20, %get3A_21] : memref<1x128xf32, #tpu.memory_space<vmem>>, vector<1x128xf32>
    %add3A_23 = vector.broadcast %get3A_22 : vector<1x128xf32> to vector<10000x128xf32>
    %add3A_24 = arith.addf %add3A_19, %add3A_23 : vector<10000x128xf32>
    %reduce_sum3A = arith.constant dense<0.000000e+00> : vector<128xf32>
    %reduce_sum3A_25 = vector.multi_reduction <add>, %add3A_24, %reduce_sum3A [0] : vector<10000x128xf32> to vector<128xf32>
    %broadcast_in_dim3A = vector.shape_cast %reduce_sum3A_25 : vector<128xf32> to vector<1x128xf32>
    %div3A = arith.constant 1.000000e+04 : f32
    %div3A_26 = vector.broadcast %div3A : f32 to vector<1x128xf32>
    %div3A_27 = arith.divf %broadcast_in_dim3A, %div3A_26 : vector<1x128xf32>
    %sub3A = vector.broadcast %div3A_27 : vector<1x128xf32> to vector<10000x128xf32>
    %sub3A_28 = arith.subf %add3A_24, %sub3A : vector<10000x128xf32>
    %integer_pow3A = arith.mulf %sub3A_28, %sub3A_28 : vector<10000x128xf32>
    %reduce_sum3A_29 = arith.constant dense<0.000000e+00> : vector<128xf32>
    %reduce_sum3A_30 = vector.multi_reduction <add>, %integer_pow3A, %reduce_sum3A_29 [0] : vector<10000x128xf32> to vector<128xf32>
    %broadcast_in_dim3A_31 = vector.shape_cast %reduce_sum3A_30 : vector<128xf32> to vector<1x128xf32>
    %div3A_32 = arith.constant 1.000000e+04 : f32
    %div3A_33 = vector.broadcast %div3A_32 : f32 to vector<1x128xf32>
    %div3A_34 = arith.divf %broadcast_in_dim3A_31, %div3A_33 : vector<1x128xf32>
    %get3A_35 = arith.constant 0 : index
    %get3A_36 = arith.constant 0 : index
    %get3A_37 = vector.load %arg4[%get3A_35, %get3A_36] : memref<1x128xf32, #tpu.memory_space<vmem>>, vector<1x128xf32>
    %sub3A_38 = vector.broadcast %div3A_27 : vector<1x128xf32> to vector<10000x128xf32>
    %sub3A_39 = arith.subf %add3A_24, %sub3A_38 : vector<10000x128xf32>
    %mul3A_40 = vector.broadcast %get3A_37 : vector<1x128xf32> to vector<10000x128xf32>
    %mul3A_41 = arith.mulf %mul3A_40, %sub3A_39 : vector<10000x128xf32>
    %add3A_42 = arith.constant 9.99999974E-6 : f32
    %add3A_43 = vector.broadcast %add3A_42 : f32 to vector<1x128xf32>
    %add3A_44 = arith.addf %div3A_34, %add3A_43 : vector<1x128xf32>
    %rsqrt3A = math.rsqrt %add3A_44 : vector<1x128xf32>
    %mul3A_45 = vector.broadcast %rsqrt3A : vector<1x128xf32> to vector<10000x128xf32>
    %mul3A_46 = arith.mulf %mul3A_41, %mul3A_45 : vector<10000x128xf32>
    %get3A_47 = arith.constant 0 : index
    %get3A_48 = arith.constant 0 : index
    %get3A_49 = vector.load %arg5[%get3A_47, %get3A_48] : memref<1x128xf32, #tpu.memory_space<vmem>>, vector<1x128xf32>
    %add3A_50 = vector.broadcast %get3A_49 : vector<1x128xf32> to vector<10000x128xf32>
    %add3A_51 = arith.addf %mul3A_46, %add3A_50 : vector<10000x128xf32>
    %max3A = arith.constant 0.000000e+00 : f32
    %max3A_52 = vector.broadcast %max3A : f32 to vector<10000x128xf32>
    %max3A_53 = arith.maximumf %add3A_51, %max3A_52 : vector<10000x128xf32>
    %get3A_54 = arith.constant 0 : index
    %get3A_55 = arith.constant 0 : index
    %get3A_56 = vector.load %arg6[%get3A_54, %get3A_55] : memref<128x128xf32, #tpu.memory_space<vmem>>, vector<128x128xf32>
    %dot_general3A = arith.constant dense<0.000000e+00> : vector<10000x128xf32>
    %dot_general3A_57 = tpu.matmul %max3A_53, %get3A_56, %dot_general3A {dimension_numbers = #tpu.dot_dimension_numbers<[1], [0], [0], [1], [0, 0, 1, 1], [], []>, transpose_lhs_hint = false} : vector<10000x128xf32>, vector<128x128xf32>, vector<10000x128xf32> -> vector<10000x128xf32>
    %swap3A = arith.constant 0 : index
    %swap3A_58 = arith.constant 0 : index
    %swap3A_59 = vector.load %arg7[%swap3A, %swap3A_58] : memref<10000x128xf32, #tpu.memory_space<vmem>>, vector<10000x128xf32>
    tpu.vector_store %arg7[%swap3A, %swap3A_58], %dot_general3A_57 {strides = array<i32>} : memref<10000x128xf32, #tpu.memory_space<vmem>>, vector<10000x128xf32>,
    %mul3A_60 = vector.broadcast %get3A_1 : vector<10000x1xf32> to vector<10000x128xf32>
    %mul3A_61 = arith.mulf %dot_general3A_57, %mul3A_60 : vector<10000x128xf32>
    %swap3A_62 = arith.constant 0 : index
    %swap3A_63 = arith.constant 0 : index
    %swap3A_64 = vector.load %arg8[%swap3A_62, %swap3A_63] : memref<10000x128xf32, #tpu.memory_space<vmem>>, vector<10000x128xf32>
    tpu.vector_store %arg8[%swap3A_62, %swap3A_63], %mul3A_61 {strides = array<i32>} : memref<10000x128xf32, #tpu.memory_space<vmem>>, vector<10000x128xf32>,
    return
  }
}

module attributes {stable_mosaic.version = 14 : i64} {
  func.func @body(%arg0: memref<2x10112x128xf32, #tpu.memory_space<vmem>>, %arg1: memref<10000x128xf32, #tpu.memory_space<vmem>>, %arg2: memref<10000x1xf32, #tpu.memory_space<vmem>>, %arg3: memref<1x128xf32, #tpu.memory_space<vmem>>, %arg4: memref<10000x128xf32, #tpu.memory_space<vmem>>) attributes {dimension_semantics = [], scalar_prefetch = 0 : i64, scratch_operands = 0 : i64, tpu.core_type = #tpu.core_type<tc>} {
    %get3A = arith.constant 0 : index
    %get3A_0 = arith.constant 0 : index
    %get3A_1 = vector.load %arg2[%get3A, %get3A_0] : memref<10000x1xf32, #tpu.memory_space<vmem>>, vector<10000x1xf32>
    %get3A_2 = arith.constant 0 : index
    %get3A_3 = arith.constant 0 : index
    %get3A_4 = arith.constant 0 : index
    %get3A_5 = vector.load %arg0[%get3A_2, %get3A_3, %get3A_4] : memref<2x10112x128xf32, #tpu.memory_space<vmem>>, vector<1x10000x128xf32>
    %get3A_6 = vector.shape_cast %get3A_5 : vector<1x10000x128xf32> to vector<10000x128xf32>
    %get3A_7 = arith.constant 1 : index
    %get3A_8 = arith.constant 0 : index
    %get3A_9 = arith.constant 0 : index
    %get3A_10 = vector.load %arg0[%get3A_7, %get3A_8, %get3A_9] : memref<2x10112x128xf32, #tpu.memory_space<vmem>>, vector<1x10000x128xf32>
    %get3A_11 = vector.shape_cast %get3A_10 : vector<1x10000x128xf32> to vector<10000x128xf32>
    %add3A = arith.addf %get3A_6, %get3A_11 : vector<10000x128xf32>
    %mul3A = vector.broadcast %get3A_1 : vector<10000x1xf32> to vector<10000x128xf32>
    %mul3A_12 = arith.mulf %mul3A, %add3A : vector<10000x128xf32>
    %mul3A_13 = arith.mulf %get3A_1, %get3A_1 : vector<10000x1xf32>
    %get3A_14 = arith.constant 0 : index
    %get3A_15 = arith.constant 0 : index
    %get3A_16 = vector.load %arg1[%get3A_14, %get3A_15] : memref<10000x128xf32, #tpu.memory_space<vmem>>, vector<10000x128xf32>
    %mul3A_17 = vector.broadcast %mul3A_13 : vector<10000x1xf32> to vector<10000x128xf32>
    %mul3A_18 = arith.mulf %mul3A_17, %get3A_16 : vector<10000x128xf32>
    %add3A_19 = arith.addf %mul3A_12, %mul3A_18 : vector<10000x128xf32>
    %get3A_20 = arith.constant 0 : index
    %get3A_21 = arith.constant 0 : index
    %get3A_22 = vector.load %arg3[%get3A_20, %get3A_21] : memref<1x128xf32, #tpu.memory_space<vmem>>, vector<1x128xf32>
    %add3A_23 = vector.broadcast %get3A_22 : vector<1x128xf32> to vector<10000x128xf32>
    %add3A_24 = arith.addf %add3A_19, %add3A_23 : vector<10000x128xf32>
    %reduce_max3A = arith.constant dense<0xFF800000> : vector<10000xf32>
    %reduce_max3A_25 = vector.multi_reduction <maximumf>, %add3A_24, %reduce_max3A [1] : vector<10000x128xf32> to vector<10000xf32>
    %broadcast_in_dim3A = vector.shape_cast %reduce_max3A_25 : vector<10000xf32> to vector<10000x1xf32>
    %sub3A = vector.broadcast %broadcast_in_dim3A : vector<10000x1xf32> to vector<10000x128xf32>
    %sub3A_26 = arith.subf %add3A_24, %sub3A : vector<10000x128xf32>
    %exp3A = math.exp %sub3A_26 : vector<10000x128xf32>
    %reduce_sum3A = arith.constant dense<0.000000e+00> : vector<10000xf32>
    %reduce_sum3A_27 = vector.multi_reduction <add>, %exp3A, %reduce_sum3A [1] : vector<10000x128xf32> to vector<10000xf32>
    %broadcast_in_dim3A_28 = vector.shape_cast %reduce_sum3A_27 : vector<10000xf32> to vector<10000x1xf32>
    %log3A = math.log %broadcast_in_dim3A_28 : vector<10000x1xf32>
    %sub3A_29 = vector.broadcast %log3A : vector<10000x1xf32> to vector<10000x128xf32>
    %sub3A_30 = arith.subf %sub3A_26, %sub3A_29 : vector<10000x128xf32>
    %swap3A = arith.constant 0 : index
    %swap3A_31 = arith.constant 0 : index
    %swap3A_32 = vector.load %arg4[%swap3A, %swap3A_31] : memref<10000x128xf32, #tpu.memory_space<vmem>>, vector<10000x128xf32>
    tpu.vector_store %arg4[%swap3A, %swap3A_31], %sub3A_30 {strides = array<i32>} : memref<10000x128xf32, #tpu.memory_space<vmem>>, vector<10000x128xf32>,
    return
  }
}

</mosaic_0001>

<sc_bundles>
// kernel: kernel.10.cloned.1.call-start
scs
__scs_entry_jumppad:
0x0: {  	(pc) =	sbr.rel $0x88, $3  }
0x1: {  	(tag) =	ssettag $0x0;
	lr =	simm.s32 $0x1  }
0x2: {  	[smem:$0x3F95] =	sst lr;
	_ =	strace $0xD0000000  }
0x3: {  	_ = 	snop  }
0x4: {  	_ = 	snop  }
0x5: {  	_ = 	snop  }
0x6: {  	_ = 	snop  }
0x7: {  	_ = 	snop  }
__scs_overlays_trampoline_lowered:
0x8: {  	[smem:$0x3FA4] =	sst s0  }
0x9: {  	[smem:$0x3FA5] =	sst s1  }
0xa: {  	[smem:$0x3FA6] =	sst s2  }
0xb: {  	[smem:$0x3FA7] =	sst s3  }
0xc: {  	[smem:$0x3FA8] =	sst s4  }
0xd: {  	[smem:$0x3FA9] =	sst s5  }
0xe: {  	[smem:$0x3FAA] =	sst s6  }
0xf: {  	[smem:$0x3FAB] =	sst s7  }
0x10: {  	[smem:$0x3FAC] =	sst s8  }
0x11: {  	[smem:$0x3FAD] =	sst s9;
	s0 =	simm.s32 @!p0 $0x0  }
0x12: {  	s1 =	sld [smem:$0x3F93];
	s0 =	simm.s32 @p0 $0x1  }
0x13: {  	[smem:$0x3FAE] =	sst s0;
	s0 =	simm.s32 @!p1 $0x0  }
0x14: {  	s2 =	sld [smem:$0x3F92];
	s0 =	simm.s32 @p1 $0x1  }
0x15: {  	[smem:$0x3FAF] =	sst s0;
	s0 =	simm.s32 @!p2 $0x0  }
0x16: {  	s3 =	sld [smem:$0x3FDB];
	s0 =	simm.s32 @p2 $0x1  }
0x17: {  	s4 =	simm.s32 $0x1BF5;
	[smem:$0x3FB1] =	sst s0  }
0x18: {  	s0 =	sld [smem:$0x3F94];
	_ =	swait.ge [sflag:s4], $0x0  }
0x19: {  	s7 =	sld [smem:$0x3F95]  }
0x1a: {  	s8 =	sadd.s32 $0xFFFFE003, lr  }
0x1b: {  	s9 =	sadd.s32 $0xFFFFFEF7, lr;
	s5 =	simm.s32 $0xFFFFFFFF;
	p2 =	slt.u32 s8, $0xFFFFF086  }
0x1c: {  	p1 =	slt.u32 s9, $0xF7A;
	s5 =	simm.s32 @!p2 $0x0  }
0x1d: {  	s5 =	simm.s32 @p1 $0x1;
	p0 =	seq.s32 s7, s2  }
0x1e: {  	s7 =	smul.u32 @!p0 $0xF7A, s2;
	p2 =	seq.s32 @!p0 s5, $0x0  }
0x1f: {  	s9 =	smul.u32 $0xF7A, s1;
	s8 =	simm.s32 @!p0 $0x1BF5;
	p2 =	por !p2, p0  }
0x20: {  	[sflag:s8] =	ssyncset.s32 @!p0 $0xFFFFF086;
	s6 =	sadd.s32 @!p0 s3, s7;
	s7 =	simm.s32 @!p0 $0x108  }
0x21: {  	s3 =	sadd.s32 s3, s9;
	s6 =	sadd.s32 @!p0 $0x88, s6;
	s7 =	simm.s32 @p2 $0x1082  }
0x22: {  	[simem:s7], [sflag:s8] =	dma.local @!p0 [hbm:s6], $0xF7A  }
0x23: {  	s9 =	sor.u32 $0xD0000000, s2;
	s6 =	simm.s32 $0x108;
	_ =	swait.ge @!p0 [sflag:s8], $0x0  }
0x24: {  	s3 =	sadd.s32 $0x88, s3;
	s6 =	simm.s32 @!p1 $0x1082;
	[sflag:s4] =	ssyncset.s32 $0xFFFFF086  }
0x25: {  	[simem:s6], [sflag:s4] =	dma.local [hbm:s3], $0xF7A  }
0x26: {  	[smem:$0x3F95] =	sst s1;
	(tag) =	ssettag s2;
	_ =	strace s9  }
0x27: {  	s1 =	sld [smem:$0x3FA5]  }
0x28: {  	s2 =	sld [smem:$0x3FA6]  }
0x29: {  	s4 =	sld [smem:$0x3FA8]  }
0x2a: {  	p0 =	seq.s32 s5, $0x0;
	s5 =	sld [smem:$0x3FA9]  }
0x2b: {  	s6 =	sld [smem:$0x3FAA]  }
0x2c: {  	s7 =	sld [smem:$0x3FAB]  }
0x2d: {  	s3 =	simm.s32 $0x108;
	s8 =	sld [smem:$0x3FAC]  }
0x2e: {  	s3 =	simm.s32 @!p0 $0x1082;
	s9 =	sld [smem:$0x3FAD]  }
0x2f: {  	lr =	sadd.s32 s0, s3;
	s0 =	sld [smem:$0x3FA4]  }
0x30: {  	s3 =	sld [smem:$0x3FA7]  }
0x31: {  	[smem:$0x3FB0] =	sst s10  }
0x32: {  	s10 =	sld [smem:$0x3FAE];
	_ =	sdelay $0x3  }
0x33: {  	p0 =	seq.s32 s10, $0x1;
	s10 =	sld [smem:$0x3FB0];
	_ =	sdelay $0x3  }
0x34: {  	[smem:$0x3FB0] =	sst s10  }
0x35: {  	s10 =	sld [smem:$0x3FAF];
	_ =	sdelay $0x3  }
0x36: {  	p1 =	seq.s32 s10, $0x1;
	s10 =	sld [smem:$0x3FB0];
	_ =	sdelay $0x3  }
0x37: {  	[smem:$0x3FB0] =	sst s10  }
0x38: {  	s10 =	sld [smem:$0x3FB1]  }
0x39: {  	_ = 	snop;
	(pc) =	sbr.ind lr, $3  }
0x3a: {  	_ = 	snop  }
0x3b: {  	_ = 	snop  }
0x3c: {  	p2 =	seq.s32 s10, $0x1;
	s10 =	sld [smem:$0x3FB0]  }
0x3d: {  	_ =	shalt  }
0x3e: {  	_ =	shalt  }
0x3f: {  	_ =	shalt  }
0x40: {  	_ =	shalt  }
0x41: {  	_ =	shalt  }
0x42: {  	_ =	shalt  }
0x43: {  	_ =	shalt  }
0x44: {  	_ =	shalt  }
0x45: {  	_ =	shalt  }
0x46: {  	_ =	shalt  }
0x47: {  	_ =	shalt  }
0x48: {  	_ =	shalt  }
0x49: {  	_ =	shalt  }
0x4a: {  	_ =	shalt  }
0x4b: {  	_ =	shalt  }
0x4c: {  	_ =	shalt  }
0x4d: {  	_ =	shalt  }
0x4e: {  	_ =	shalt  }
0x4f: {  	_ =	shalt  }
0x50: {  	_ =	shalt  }
0x51: {  	_ =	shalt  }
0x52: {  	_ =	shalt  }
0x53: {  	_ =	shalt  }
0x54: {  	_ =	shalt  }
0x55: {  	_ =	shalt  }
0x56: {  	_ =	shalt  }
0x57: {  	_ =	shalt  }
0x58: {  	_ =	shalt  }
0x59: {  	_ =	shalt  }
0x5a: {  	_ =	shalt  }
0x5b: {  	_ =	shalt  }
0x5c: {  	_ =	shalt  }
0x5d: {  	_ =	shalt  }
0x5e: {  	_ =	shalt  }
0x5f: {  	_ =	shalt  }
0x60: {  	_ =	shalt  }
0x61: {  	_ =	shalt  }
0x62: {  	_ =	shalt  }
0x63: {  	_ =	shalt  }
0x64: {  	_ =	shalt  }
0x65: {  	_ =	shalt  }
0x66: {  	_ =	shalt  }
0x67: {  	_ =	shalt  }
0x68: {  	_ =	shalt  }
0x69: {  	_ =	shalt  }
0x6a: {  	_ =	shalt  }
0x6b: {  	_ =	shalt  }
0x6c: {  	_ =	shalt  }
0x6d: {  	_ =	shalt  }
0x6e: {  	_ =	shalt  }
0x6f: {  	_ =	shalt  }
0x70: {  	_ =	shalt  }
0x71: {  	_ =	shalt  }
0x72: {  	_ =	shalt  }
0x73: {  	_ =	shalt  }
0x74: {  	_ =	shalt  }
0x75: {  	_ =	shalt  }
0x76: {  	_ =	shalt  }
0x77: {  	_ =	shalt  }
0x78: {  	_ =	shalt  }
0x79: {  	_ =	shalt  }
0x7a: {  	_ =	shalt  }
0x7b: {  	_ =	shalt  }
0x7c: {  	_ =	shalt  }
0x7d: {  	_ =	shalt  }
0x7e: {  	_ =	shalt  }
0x7f: {  	_ =	shalt  }
0x80: {  	_ =	shalt  }
0x81: {  	_ =	shalt  }
0x82: {  	_ =	shalt  }
0x83: {  	_ =	shalt  }
0x84: {  	_ =	shalt  }
0x85: {  	_ =	shalt  }
0x86: {  	_ =	shalt  }
0x87: {  	_ =	shalt  }
.Lfunc_end0:
.L_simem_size_0:
called_computation_lowered:
.L_overlay_start_0:
0x88: {  	s2 =	sld [smem:$0x3FD9]  }
0x89: {  	s3 =	sld [smem:$0x3FFE];
	_ =	sdelay $0x1  }
0x8a: {  	s1 =	srdreg.scid  }
0x8b: {  	s0 =	sand.u32 $0x1, s1  }
0x8c: {  	s17 =	sshll.u32 s0, $0xA;
	s2 =	sadd.s32 s3, s2  }
0x8d: {  	s2 =	sadd.s32 s2, s17  }
0x8e: {  	[smem:$0x3FBC] =	sst s2  }
0x8f: {  	_ = 	snop  }
0x90: {  	s2 =	sld [smem:$0x3FD0];
	(tm) =	ssettm $0x1  }
0x91: {  	s18 =	sld [smem:$0x3FFB];
	_ =	sdelay $0x3  }
0x92: {  	_ =	strace s18  }
0x93: {  	s3 =	sld [smem:$0x3FFC];
	_ =	sdelay $0x3  }
0x94: {  	_ =	strace s3  }
0x95: {  	s3 =	sld [smem:$0x3FFD];
	_ =	sdelay $0x3  }
0x96: {  	_ =	strace s3  }
0x97: {  	_ =	strace $0x8FFFFFFF  }
0x98: {  	s19 =	sld [smem:$0x3FDB];
	_ =	sdelay $0x1  }
0x99: {  	s4 =	simm.s32 $_scs_section_size  }
0x9a: {  	s5 =	simm.s32 $_size__tile_overlayer_lowered;
	s6 =	simm.s32 $_tile_overlayer_lowered  }
0x9b: {  	s22 =	simm.s32 $0x1BFF;
	s21 =	sshll.u32 s6, $0x1;
	s3 =	sadd.s32 s4, s19  }
0x9c: {  	s7 =	simm.s32 $0x0;
	s20 =	sshll.u32 s5, $0x1;
	s5 =	sadd.s32 s21, s3  }
0x9d: {  	[timem:s7], [sflag:s22] =	dma.local [hbm:s5], s20  }
0x9e: {  	_ =	swait.ge [sflag:s22], s20  }
0x9f: {  	s4 =	ssub.s32 $0x0, s20;
	[sflag:s22] =	ssyncset.done $0x0  }
0xa0: {  	[sflag:s22] =	ssyncadd.s32 s4;
	_ =	sdelay $0x1  }
0xa1: {  	s23 =	simm.s32 $0x1B8B  }
0xa2: {  	_ =	swait.ge [sflag:s23], $0x1  }
0xa3: {  	[sflag:s23] =	ssyncset.done $0x0  }
0xa4: {  	s25 =	simm.s32 $0x1B8E;
	s24 =	sld [smem:$0x3FFE];
	[sflag:s23] =	ssyncadd.s32 $0xFFFFFFFF  }
0xa5: {  	s26 =	simm.s32 $execute0_lowered;
	[smem:$0x3FD2] =	sst s25  }
0xa6: {  	s5 =	sshll.u32 s26, $0x1;
	_ =	strace $0x80000046;
	[dreg:$0x1] =	wrdreg $0xFFFFFFFF  }
0xa7: {  	s28 =	simm.s32 $_size_execute0_lowered;
	s3 =	sadd.s32 s3, s5;
	[dreg:$0x0] =	wrdreg $0x0  }
0xa8: {  	s5 =	sshll.u32 s28, $0x1;
	[dreg:$0x2] =	wrdreg s3  }
0xa9: {  	[dreg:$0x3] =	wrdreg s5  }
0xaa: {  	[dreg:$0x4] =	wrdreg $0xC0  }
0xab: {  	_ =	task [dreg:s7], $0x5FFFF  }
0xac: {  	[dreg:$0x1] =	wrdreg $0xFFFFFFFF  }
0xad: {  	[dreg:$0x0] =	wrdreg $0x60  }
0xae: {  	[dreg:$0x2] =	wrdreg s24  }
0xaf: {  	[dreg:$0x3] =	wrdreg s2  }
0xb0: {  	[dreg:$0x4] =	wrdreg $0xA4000  }
0xb1: {  	[dreg:$0x5] =	wrdreg $0x9  }
0xb2: {  	_ =	task.clear_ibuf [dreg:s7], $0x6FFFF;
	_ =	strace $0x90000046  }
0xb3: {  	s29 =	simm.s32 $0x9;
	_ =	strace $0x80000048  }
0xb4: {  	_ =	swait.ge [sflag:s29], $0x1  }
0xb5: {  	[sflag:s29] =	ssyncadd.s32 $0xFFFFFFFF  }
0xb6: {  	_ =	strace $0x90000048  }
0xb7: {  	_ =	sfence  }
0xb8: {  	s30 =	sld [smem:$0x0];
	_ =	sdelay $0x2  }
0xb9: {  	s31 =	sshll.u32 s1, $0xD;
	s1 =	sshrl.u32 s1, $0x2  }
0xba: {  	s3 =	sand.u32 $0x4000, s31;
	s1 =	sadd.s32 s1, s30  }
0xbb: {  	s0 =	sor.u32 s3, s0;
	s1 =	sshll.u32 s1, $0x11  }
0xbc: {  	s0 =	sor.u32 s1, s0  }
0xbd: {  	s0 =	sadd.s32 $0x8F2B, s0  }
0xbe: {  	[sflag:s0] =	ssyncadd.remote.s32 $0x1  }
0xbf: {  	_ =	sfence.sel $0xFFFF  }
0xc0: {  	[dreg:$0x0] =	wrdreg $0xFFFFFFFF;
	(pc) =	sbr.abs _section_cstart, $3  }
0xc1: {  	[dreg:$0x1] =	wrdreg $0xFFFFFFFF  }
0xc2: {  	_ =	task.clear_ibuf [dreg:s7], $0x2FFFF;
	_ =	strace $0x9FFFFFFF  }
0xc3: {  	(tm) =	ssettm $0x7FFFFFFF  }
tec
execute0_lowered:
.L_overlay_start_1:
0x0: {  	(tag) =	ssettag $0x1  }
0x1: {  	s1 =	srdreg.scid;
	s6 =	rddreg [dreg:$0x0]  }
0x2: {  	s0 =	stileid.u32;
	s2 =	rddreg [dreg:$0x1]  }
0x3: {  	s3 =	rddreg [dreg:$0x2];
	s4 =	simm.s32 $0x0;
	s14 =	simm.s32 $0x80  }
0x4: {  	s15 =	simm.s32 $0x1;
	s16 =	simm.s32 $0x0;
	s7 =	sand.u32 $0x1, s1  }
0x5: {  	s28 =	sshll.u32 s0, $0x1;
	[smem:$0x7FF] =	sst s4;
	s9 =	smul.u32 $0x13C00, s0  }
0x6: {  	s12 =	smul.u32 $0x4F000, s0;
	s31 =	sshll.u32 s0, $0x6;
	s1 =	sor.u32 s7, s28  }
0x7: {  	s8 =	smul.u32 $0x13C000, s7;
	s29 =	ssub.s32 $0x2, s7;
	p0 =	seq.s32 s7, $0x0  }
0x8: {  	s7 =	sor.u32 $0x1C02, s31;
	s5 =	smul.u32 $0xC80, s1;
	s1 =	rddreg [dreg:$0x3]  }
0x9: {  	_ =	strace $0x80000047;
	s11 =	sshrl.u32 s29, $0x1;
	s30 =	sshrl.u32 s12, $0x2  }
0xa: {  	s8 =	sadd.s32 s9, s8;
	s11 =	ssub.s32 s29, s11;
	s12 =	sadd.s32 s30, s3  }
0xb: {  	s10 =	sadd.s32 s5, s6;
	s5 =	sadd.s32 $0x1C200, s6;
	s8 =	sshrl.u32 s8, $0x3  }
0xc: {  	s13 =	sadd.s32 s8, s6;
	s6 =	simm.s32 $0x64;
	s8 =	sadd.s32 $0x3200, s10  }
0xd: {  	s10 =	smax.u32 s11, $0x1;
	s11 =	sshrl.u32 s12, $0x3;
	s12 =	simm.s32 $0x2  }
0xe: {  	s6 =	simm.s32 @!p0 $0x39;
	s9 =	sadd.s32 $0x1EA00, s13;
	s13 =	simm.s32 $0x6400  }
.LBB2_1:
0xf: {  	[spmem:s11], [sflag:s7] =	dma.local [hbm:s5], $0x2780  }
0x10: {  	_ =	swait.ge [sflag:s12], $0x2780  }
0x11: {  	[sflag:s12] =	ssyncset.done $0x0  }
0x12: {  	[sflag:s12] =	ssyncadd.s32 $0xFFFFD880  }
0x13: {  	[tilespmem:s13], [sflag:$0x2] =	stream.linear.gather [hbm4b:s2+s4], $0x4000, $0x38;
	[tilespmem:$0x1E000] =	vst v63  }
0x14: {  	_ =	swait.ge [sflag:s12], $0x4000  }
0x15: {  	[sflag:s12] =	ssyncset.done $0x0  }
0x16: {  	p0 =	sne.s32 s6, $0x1;
	[sflag:s12] =	ssyncadd.s32 $0xFFFFC000  }
0x17: {  	[tilespmem:s4], [sflag:$0x2] =	stream.linear.gather [hbm4b:s8+s4], $0x6400, $0x38;
	[tilespmem:$0x1E000] =	vst v63  }
.Ltmp0:
0x18: {  	_ =	swait.ge [sflag:s12], $0x6400;
	(pc) =	sbr.rel @!p0 .LBB2_3-.Ltmp0, $4  }
0x19: {  	[sflag:s12] =	ssyncset.done $0x0  }
0x1a: {  	[sflag:s12] =	ssyncadd.s32 $0xFFFF9C00  }
0x1b: {  	s17 =	sadd.s32 $0xFFFFFFFF, s6;
	s18 =	simm.s32 $0x80;
	[bflag:$0x0] =	sbarrier.arrive $0xFFFF  }
0x1c: {  	[spmem:s3] =	stream.indirect.scatter.add.f32 [tilespmem:s13], [sflag:$0x1], $0x80, s14, s14, $0xb8;
	[tilespmem:$0x1E000] =	vst v63  }
.LBB2_2:
0x1d: {  	p1 =	sne.s32 s17, $0x1  }
.Ltmp1:
0x1e: {  	_ = 	snop;
	(pc) =	sbr.rel @p1 .LBB2_2-.Ltmp1, $3  }
0x1f: {  	_ = 	snop  }
0x20: {  	s17 =	sadd.s32 $0xFFFFFFFF, s17;
	s18 =	sadd.s32 $0x100, s18;
	_ =	sdelay $0x1  }
0x21: {  	[spmem:s3] =	stream.indirect.scatter.add.f32 [tilespmem:s13], [sflag:$0x1], $0x80, s18, s14, $0xb8;
	[tilespmem:$0x1E000] =	vst v63  }
.LBB2_3:
.Ltmp2:
0x22: {  	(pc) =	sbr.rel @!p0 .LBB2_5-.Ltmp2, $3  }
0x23: {  	_ =	sdelay $0x1  }
0x24: {  	_ =	swait.ge [sflag:s15], $0x4000  }
0x25: {  	s17 =	sadd.s32 $0xFFFFFFFF, s6;
	[sflag:s15] =	ssyncset.done $0x0  }
.LBB2_4:
0x26: {  	p0 =	sne.s32 s17, $0x1;
	s17 =	sadd.s32 $0xFFFFFFFF, s17;
	[sflag:s15] =	ssyncadd.s32 $0xFFFFC000  }
.Ltmp3:
0x27: {  	(pc) =	sbr.rel @p0 .LBB2_4-.Ltmp3, $3  }
0x28: {  	_ =	sdelay $0x1  }
0x29: {  	_ =	swait.ge [sflag:s15], $0x4000  }
0x2a: {  	[sflag:s15] =	ssyncset.done $0x0  }
.LBB2_5:
0x2b: {  	s16 =	sadd.s32 $0x1, s16  }
0x2c: {  	[sflag:s15] =	ssyncadd.s32 $0xFFFFC000;
	p0 =	sne.s32 s16, s10  }
.Ltmp4:
0x2d: {  	[bflag:$0x0] =	sbarrier.arrive $0xFFFF;
	(pc) =	sbr.rel @p0 .LBB2_1-.Ltmp4, $4  }
0x2e: {  	[hbm:s9], [sflag:s7] =	dma.local [spmem:s11], $0x2780  }
0x2f: {  	_ =	swait.ge [sflag:s12], $0x2780  }
0x30: {  	[sflag:s12] =	ssyncset.done $0x0  }
0x31: {  	[sflag:s12] =	ssyncadd.s32 $0xFFFFD880  }
0x32: {  	_ =	sfence.sel $0x180000  }
0x33: {  	[bflag:$0x0] =	sbarrier.arrive $0xFFFF  }
0x34: {  	p0 =	sne.s32 s0, $0x0;
	_ =	strace $0x90000047  }
0x35: {  	s0 =	sadd.s32 @!p0 $0x100000, s1;
	[bflag:$0x2] =	sbarrier.arrive $0xFFFF  }
0x36: {  	[sflag:s0] =	ssyncadd.tile.s32 @!p0 $0x1;
	_ =	shalt  }
.Lfunc_end2:
_tile_overlayer_lowered:
.L_overlay_start_2:
0x37: {  	(tag) =	ssettag $0x2  }
0x38: {  	s0 =	rddreg [dreg:$0x0];
	s2 =	stileid.u32  }
0x39: {  	s1 =	rddreg [dreg:$0x1];
	p0 =	sne.s32 s2, $0x0  }
0x3a: {  	s3 =	rddreg [dreg:$0x2];
	[bflag:$0x3] =	sbarrier.arrive $0xFFFF;
	s2 =	simm.s32 @!p0 $0x1C02  }
0x3b: {  	[timem:s3], [sflag:s2] =	dma.local @!p0 [hbm:s0], s1  }
0x3c: {  	s0 =	simm.s32 @!p0 $0x2  }
0x3d: {  	_ =	swait.ge @!p0 [sflag:s0], s1  }
0x3e: {  	s1 =	ssub.s32 @!p0 $0x0, s1;
	[sflag:s0] =	ssyncset.done @!p0 $0x0  }
0x3f: {  	[sflag:s0] =	ssyncadd.s32 @!p0 s1  }
0x40: {  	[bflag:$0x3] =	sbarrier.arrive $0xFFFF  }
0x41: {  	_ =	shalt  }

// kernel: kernel.13.cloned.1.call-start
scs
__scs_entry_jumppad:
0x0: {  	(pc) =	sbr.rel $0x88, $3  }
0x1: {  	(tag) =	ssettag $0x0;
	lr =	simm.s32 $0x1  }
0x2: {  	[smem:$0x3F95] =	sst lr;
	_ =	strace $0xD0000000  }
0x3: {  	_ = 	snop  }
0x4: {  	_ = 	snop  }
0x5: {  	_ = 	snop  }
0x6: {  	_ = 	snop  }
0x7: {  	_ = 	snop  }
__scs_overlays_trampoline_lowered:
0x8: {  	[smem:$0x3FA4] =	sst s0  }
0x9: {  	[smem:$0x3FA5] =	sst s1  }
0xa: {  	[smem:$0x3FA6] =	sst s2  }
0xb: {  	[smem:$0x3FA7] =	sst s3  }
0xc: {  	[smem:$0x3FA8] =	sst s4  }
0xd: {  	[smem:$0x3FA9] =	sst s5  }
0xe: {  	[smem:$0x3FAA] =	sst s6  }
0xf: {  	[smem:$0x3FAB] =	sst s7  }
0x10: {  	[smem:$0x3FAC] =	sst s8  }
0x11: {  	[smem:$0x3FAD] =	sst s9;
	s0 =	simm.s32 @!p0 $0x0  }
0x12: {  	s1 =	sld [smem:$0x3F93];
	s0 =	simm.s32 @p0 $0x1  }
0x13: {  	[smem:$0x3FAE] =	sst s0;
	s0 =	simm.s32 @!p1 $0x0  }
0x14: {  	s2 =	sld [smem:$0x3F92];
	s0 =	simm.s32 @p1 $0x1  }
0x15: {  	[smem:$0x3FAF] =	sst s0;
	s0 =	simm.s32 @!p2 $0x0  }
0x16: {  	s3 =	sld [smem:$0x3FDB];
	s0 =	simm.s32 @p2 $0x1  }
0x17: {  	s4 =	simm.s32 $0x1BF5;
	[smem:$0x3FB1] =	sst s0  }
0x18: {  	s0 =	sld [smem:$0x3F94];
	_ =	swait.ge [sflag:s4], $0x0  }
0x19: {  	s7 =	sld [smem:$0x3F95]  }
0x1a: {  	s8 =	sadd.s32 $0xFFFFE003, lr  }
0x1b: {  	s9 =	sadd.s32 $0xFFFFFEF7, lr;
	s5 =	simm.s32 $0xFFFFFFFF;
	p2 =	slt.u32 s8, $0xFFFFF086  }
0x1c: {  	p1 =	slt.u32 s9, $0xF7A;
	s5 =	simm.s32 @!p2 $0x0  }
0x1d: {  	s5 =	simm.s32 @p1 $0x1;
	p0 =	seq.s32 s7, s2  }
0x1e: {  	s7 =	smul.u32 @!p0 $0xF7A, s2;
	p2 =	seq.s32 @!p0 s5, $0x0  }
0x1f: {  	s9 =	smul.u32 $0xF7A, s1;
	s8 =	simm.s32 @!p0 $0x1BF5;
	p2 =	por !p2, p0  }
0x20: {  	[sflag:s8] =	ssyncset.s32 @!p0 $0xFFFFF086;
	s6 =	sadd.s32 @!p0 s3, s7;
	s7 =	simm.s32 @!p0 $0x108  }
0x21: {  	s3 =	sadd.s32 s3, s9;
	s6 =	sadd.s32 @!p0 $0x88, s6;
	s7 =	simm.s32 @p2 $0x1082  }
0x22: {  	[simem:s7], [sflag:s8] =	dma.local @!p0 [hbm:s6], $0xF7A  }
0x23: {  	s9 =	sor.u32 $0xD0000000, s2;
	s6 =	simm.s32 $0x108;
	_ =	swait.ge @!p0 [sflag:s8], $0x0  }
0x24: {  	s3 =	sadd.s32 $0x88, s3;
	s6 =	simm.s32 @!p1 $0x1082;
	[sflag:s4] =	ssyncset.s32 $0xFFFFF086  }
0x25: {  	[simem:s6], [sflag:s4] =	dma.local [hbm:s3], $0xF7A  }
0x26: {  	[smem:$0x3F95] =	sst s1;
	(tag) =	ssettag s2;
	_ =	strace s9  }
0x27: {  	s1 =	sld [smem:$0x3FA5]  }
0x28: {  	s2 =	sld [smem:$0x3FA6]  }
0x29: {  	s4 =	sld [smem:$0x3FA8]  }
0x2a: {  	p0 =	seq.s32 s5, $0x0;
	s5 =	sld [smem:$0x3FA9]  }
0x2b: {  	s6 =	sld [smem:$0x3FAA]  }
0x2c: {  	s7 =	sld [smem:$0x3FAB]  }
0x2d: {  	s3 =	simm.s32 $0x108;
	s8 =	sld [smem:$0x3FAC]  }
0x2e: {  	s3 =	simm.s32 @!p0 $0x1082;
	s9 =	sld [smem:$0x3FAD]  }
0x2f: {  	lr =	sadd.s32 s0, s3;
	s0 =	sld [smem:$0x3FA4]  }
0x30: {  	s3 =	sld [smem:$0x3FA7]  }
0x31: {  	[smem:$0x3FB0] =	sst s10  }
0x32: {  	s10 =	sld [smem:$0x3FAE];
	_ =	sdelay $0x3  }
0x33: {  	p0 =	seq.s32 s10, $0x1;
	s10 =	sld [smem:$0x3FB0];
	_ =	sdelay $0x3  }
0x34: {  	[smem:$0x3FB0] =	sst s10  }
0x35: {  	s10 =	sld [smem:$0x3FAF];
	_ =	sdelay $0x3  }
0x36: {  	p1 =	seq.s32 s10, $0x1;
	s10 =	sld [smem:$0x3FB0];
	_ =	sdelay $0x3  }
0x37: {  	[smem:$0x3FB0] =	sst s10  }
0x38: {  	s10 =	sld [smem:$0x3FB1]  }
0x39: {  	_ = 	snop;
	(pc) =	sbr.ind lr, $3  }
0x3a: {  	_ = 	snop  }
0x3b: {  	_ = 	snop  }
0x3c: {  	p2 =	seq.s32 s10, $0x1;
	s10 =	sld [smem:$0x3FB0]  }
0x3d: {  	_ =	shalt  }
0x3e: {  	_ =	shalt  }
0x3f: {  	_ =	shalt  }
0x40: {  	_ =	shalt  }
0x41: {  	_ =	shalt  }
0x42: {  	_ =	shalt  }
0x43: {  	_ =	shalt  }
0x44: {  	_ =	shalt  }
0x45: {  	_ =	shalt  }
0x46: {  	_ =	shalt  }
0x47: {  	_ =	shalt  }
0x48: {  	_ =	shalt  }
0x49: {  	_ =	shalt  }
0x4a: {  	_ =	shalt  }
0x4b: {  	_ =	shalt  }
0x4c: {  	_ =	shalt  }
0x4d: {  	_ =	shalt  }
0x4e: {  	_ =	shalt  }
0x4f: {  	_ =	shalt  }
0x50: {  	_ =	shalt  }
0x51: {  	_ =	shalt  }
0x52: {  	_ =	shalt  }
0x53: {  	_ =	shalt  }
0x54: {  	_ =	shalt  }
0x55: {  	_ =	shalt  }
0x56: {  	_ =	shalt  }
0x57: {  	_ =	shalt  }
0x58: {  	_ =	shalt  }
0x59: {  	_ =	shalt  }
0x5a: {  	_ =	shalt  }
0x5b: {  	_ =	shalt  }
0x5c: {  	_ =	shalt  }
0x5d: {  	_ =	shalt  }
0x5e: {  	_ =	shalt  }
0x5f: {  	_ =	shalt  }
0x60: {  	_ =	shalt  }
0x61: {  	_ =	shalt  }
0x62: {  	_ =	shalt  }
0x63: {  	_ =	shalt  }
0x64: {  	_ =	shalt  }
0x65: {  	_ =	shalt  }
0x66: {  	_ =	shalt  }
0x67: {  	_ =	shalt  }
0x68: {  	_ =	shalt  }
0x69: {  	_ =	shalt  }
0x6a: {  	_ =	shalt  }
0x6b: {  	_ =	shalt  }
0x6c: {  	_ =	shalt  }
0x6d: {  	_ =	shalt  }
0x6e: {  	_ =	shalt  }
0x6f: {  	_ =	shalt  }
0x70: {  	_ =	shalt  }
0x71: {  	_ =	shalt  }
0x72: {  	_ =	shalt  }
0x73: {  	_ =	shalt  }
0x74: {  	_ =	shalt  }
0x75: {  	_ =	shalt  }
0x76: {  	_ =	shalt  }
0x77: {  	_ =	shalt  }
0x78: {  	_ =	shalt  }
0x79: {  	_ =	shalt  }
0x7a: {  	_ =	shalt  }
0x7b: {  	_ =	shalt  }
0x7c: {  	_ =	shalt  }
0x7d: {  	_ =	shalt  }
0x7e: {  	_ =	shalt  }
0x7f: {  	_ =	shalt  }
0x80: {  	_ =	shalt  }
0x81: {  	_ =	shalt  }
0x82: {  	_ =	shalt  }
0x83: {  	_ =	shalt  }
0x84: {  	_ =	shalt  }
0x85: {  	_ =	shalt  }
0x86: {  	_ =	shalt  }
0x87: {  	_ =	shalt  }
.Lfunc_end0:
.L_simem_size_0:
called_computation.1_lowered:
.L_overlay_start_0:
0x88: {  	s2 =	sld [smem:$0x3FD9]  }
0x89: {  	s3 =	sld [smem:$0x3FFE];
	_ =	sdelay $0x1  }
0x8a: {  	s1 =	srdreg.scid  }
0x8b: {  	s0 =	sand.u32 $0x1, s1  }
0x8c: {  	s17 =	sshll.u32 s0, $0xA;
	s2 =	sadd.s32 s3, s2  }
0x8d: {  	s2 =	sadd.s32 s2, s17  }
0x8e: {  	[smem:$0x3FBC] =	sst s2  }
0x8f: {  	_ = 	snop  }
0x90: {  	s2 =	sld [smem:$0x3FD0];
	(tm) =	ssettm $0x1  }
0x91: {  	s18 =	sld [smem:$0x3FFB];
	_ =	sdelay $0x3  }
0x92: {  	_ =	strace s18  }
0x93: {  	s3 =	sld [smem:$0x3FFC];
	_ =	sdelay $0x3  }
0x94: {  	_ =	strace s3  }
0x95: {  	s3 =	sld [smem:$0x3FFD];
	_ =	sdelay $0x3  }
0x96: {  	_ =	strace s3  }
0x97: {  	_ =	strace $0x8FFFFFFF  }
0x98: {  	s19 =	sld [smem:$0x3FDB];
	_ =	sdelay $0x1  }
0x99: {  	s4 =	simm.s32 $_scs_section_size  }
0x9a: {  	s5 =	simm.s32 $_size__tile_overlayer_lowered;
	s6 =	simm.s32 $_tile_overlayer_lowered  }
0x9b: {  	s22 =	simm.s32 $0x1BFF;
	s21 =	sshll.u32 s6, $0x1;
	s3 =	sadd.s32 s4, s19  }
0x9c: {  	s7 =	simm.s32 $0x0;
	s20 =	sshll.u32 s5, $0x1;
	s5 =	sadd.s32 s21, s3  }
0x9d: {  	[timem:s7], [sflag:s22] =	dma.local [hbm:s5], s20  }
0x9e: {  	_ =	swait.ge [sflag:s22], s20  }
0x9f: {  	s4 =	ssub.s32 $0x0, s20;
	[sflag:s22] =	ssyncset.done $0x0  }
0xa0: {  	[sflag:s22] =	ssyncadd.s32 s4;
	_ =	sdelay $0x1  }
0xa1: {  	s23 =	simm.s32 $0x1B8B  }
0xa2: {  	_ =	swait.ge [sflag:s23], $0x1  }
0xa3: {  	[sflag:s23] =	ssyncset.done $0x0  }
0xa4: {  	s25 =	simm.s32 $0x1B8E;
	s24 =	sld [smem:$0x3FFE];
	[sflag:s23] =	ssyncadd.s32 $0xFFFFFFFF  }
0xa5: {  	s26 =	simm.s32 $execute0_lowered;
	[smem:$0x3FD2] =	sst s25  }
0xa6: {  	s5 =	sshll.u32 s26, $0x1;
	_ =	strace $0x80000049;
	[dreg:$0x1] =	wrdreg $0xFFFFFFFF  }
0xa7: {  	s28 =	simm.s32 $_size_execute0_lowered;
	s3 =	sadd.s32 s3, s5;
	[dreg:$0x0] =	wrdreg $0x0  }
0xa8: {  	s5 =	sshll.u32 s28, $0x1;
	[dreg:$0x2] =	wrdreg s3  }
0xa9: {  	[dreg:$0x3] =	wrdreg s5  }
0xaa: {  	[dreg:$0x4] =	wrdreg $0xC0  }
0xab: {  	_ =	task [dreg:s7], $0x5FFFF  }
0xac: {  	[dreg:$0x1] =	wrdreg $0xFFFFFFFF  }
0xad: {  	[dreg:$0x0] =	wrdreg $0x60  }
0xae: {  	[dreg:$0x2] =	wrdreg s24  }
0xaf: {  	[dreg:$0x3] =	wrdreg s2  }
0xb0: {  	[dreg:$0x4] =	wrdreg $0xA4000  }
0xb1: {  	[dreg:$0x5] =	wrdreg $0x9  }
0xb2: {  	_ =	task.clear_ibuf [dreg:s7], $0x6FFFF;
	_ =	strace $0x90000049  }
0xb3: {  	s29 =	simm.s32 $0x9;
	_ =	strace $0x8000004B  }
0xb4: {  	_ =	swait.ge [sflag:s29], $0x1  }
0xb5: {  	[sflag:s29] =	ssyncadd.s32 $0xFFFFFFFF  }
0xb6: {  	_ =	strace $0x9000004B  }
0xb7: {  	_ =	sfence  }
0xb8: {  	s30 =	sld [smem:$0x0];
	_ =	sdelay $0x2  }
0xb9: {  	s31 =	sshll.u32 s1, $0xD;
	s1 =	sshrl.u32 s1, $0x2  }
0xba: {  	s3 =	sand.u32 $0x4000, s31;
	s1 =	sadd.s32 s1, s30  }
0xbb: {  	s0 =	sor.u32 s3, s0;
	s1 =	sshll.u32 s1, $0x11  }
0xbc: {  	s0 =	sor.u32 s1, s0  }
0xbd: {  	s0 =	sadd.s32 $0x8F2B, s0  }
0xbe: {  	[sflag:s0] =	ssyncadd.remote.s32 $0x1  }
0xbf: {  	_ =	sfence.sel $0xFFFF  }
0xc0: {  	[dreg:$0x0] =	wrdreg $0xFFFFFFFF;
	(pc) =	sbr.abs _section_cstart, $3  }
0xc1: {  	[dreg:$0x1] =	wrdreg $0xFFFFFFFF  }
0xc2: {  	_ =	task.clear_ibuf [dreg:s7], $0x2FFFF;
	_ =	strace $0x9FFFFFFF  }
0xc3: {  	(tm) =	ssettm $0x7FFFFFFF  }
tec
execute0_lowered:
.L_overlay_start_1:
0x0: {  	(tag) =	ssettag $0x1  }
0x1: {  	s1 =	srdreg.scid;
	s6 =	rddreg [dreg:$0x0]  }
0x2: {  	s0 =	stileid.u32;
	s2 =	rddreg [dreg:$0x1]  }
0x3: {  	s3 =	rddreg [dreg:$0x2];
	s4 =	simm.s32 $0x0;
	s14 =	simm.s32 $0x6400  }
0x4: {  	s15 =	simm.s32 $0x1;
	s16 =	simm.s32 $0x0;
	s7 =	sand.u32 $0x1, s1  }
0x5: {  	s28 =	sshll.u32 s0, $0x1;
	[smem:$0x7FF] =	sst s4;
	s9 =	smul.u32 $0x13C00, s0  }
0x6: {  	s12 =	smul.u32 $0x4F000, s0;
	s31 =	sshll.u32 s0, $0x6;
	s1 =	sor.u32 s7, s28  }
0x7: {  	s8 =	smul.u32 $0x13C000, s7;
	s29 =	ssub.s32 $0x2, s7;
	p0 =	seq.s32 s7, $0x0  }
0x8: {  	s7 =	sor.u32 $0x1C02, s31;
	s5 =	smul.u32 $0xC80, s1;
	s1 =	rddreg [dreg:$0x3]  }
0x9: {  	_ =	strace $0x8000004A;
	s11 =	sshrl.u32 s29, $0x1;
	s30 =	sshrl.u32 s12, $0x2  }
0xa: {  	s8 =	sadd.s32 s9, s8;
	s11 =	ssub.s32 s29, s11;
	s12 =	sadd.s32 s30, s3  }
0xb: {  	s10 =	sadd.s32 s5, s6;
	s5 =	sadd.s32 $0x1C200, s6;
	s8 =	sshrl.u32 s8, $0x3  }
0xc: {  	s13 =	sadd.s32 s8, s6;
	s6 =	simm.s32 $0x64;
	s8 =	sadd.s32 $0x3200, s10  }
0xd: {  	s10 =	smax.u32 s11, $0x1;
	s11 =	sshrl.u32 s12, $0x3;
	s12 =	simm.s32 $0x2  }
0xe: {  	s6 =	simm.s32 @!p0 $0x39;
	s9 =	sadd.s32 $0x1EA00, s13;
	s13 =	simm.s32 $0x80  }
.LBB2_1:
0xf: {  	[spmem:s11], [sflag:s7] =	dma.local [hbm:s5], $0x2780  }
0x10: {  	_ =	swait.ge [sflag:s12], $0x2780  }
0x11: {  	[sflag:s12] =	ssyncset.done $0x0  }
0x12: {  	[sflag:s12] =	ssyncadd.s32 $0xFFFFD880  }
0x13: {  	[tilespmem:s4], [sflag:$0x2] =	stream.linear.gather [hbm4b:s8+s4], $0x6400, $0x38;
	[tilespmem:$0x1E000] =	vst v63  }
0x14: {  	_ =	swait.ge [sflag:s12], $0x6400  }
0x15: {  	[sflag:s12] =	ssyncset.done $0x0  }
0x16: {  	[sflag:s12] =	ssyncadd.s32 $0xFFFF9C00  }
0x17: {  	[bflag:$0x0] =	sbarrier.arrive $0xFFFF  }
0x18: {  	[tilespmem:s14], [sflag:$0x1] =	stream.indirect.gather [hbm4b:s2+s13], $0x80, s4, s13, $0xb8;
	[tilespmem:$0x1E000] =	vst v63  }
0x19: {  	p0 =	sne.s32 s6, $0x1;
	_ =	swait.ge [sflag:s15], $0x4000  }
.Ltmp0:
0x1a: {  	[sflag:s15] =	ssyncset.done $0x0;
	(pc) =	sbr.rel @!p0 .LBB2_3-.Ltmp0, $4  }
0x1b: {  	s17 =	simm.s32 $0x80;
	[sflag:s15] =	ssyncadd.s32 $0xFFFFC000  }
0x1c: {  	[spmem:s3] =	stream.indirect.scatter.add.f32 [tilespmem:s14], [sflag:$0x2], $0x80, s17, s13, $0xb8;
	[tilespmem:$0x1E000] =	vst v63  }
0x1d: {  	_ =	swait.ge [sflag:s12], $0x4000  }
0x1e: {  	s18 =	simm.s32 $0x0;
	s17 =	sadd.s32 $0xFFFFFFFF, s6;
	[sflag:s12] =	ssyncset.done $0x0  }
.LBB2_2:
0x1f: {  	p0 =	sne.s32 s17, $0x1;
	[sflag:s12] =	ssyncadd.s32 $0xFFFFC000;
	s18 =	sadd.s32 $0x100, s18  }
0x20: {  	[tilespmem:s14], [sflag:$0x1] =	stream.indirect.gather [hbm4b:s2+s13], $0x80, s18, s13, $0xb8;
	[tilespmem:$0x1E000] =	vst v63  }
0x21: {  	s17 =	sadd.s32 $0xFFFFFFFF, s17;
	_ =	swait.ge [sflag:s15], $0x4000  }
.Ltmp1:
0x22: {  	[sflag:s15] =	ssyncset.done $0x0;
	(pc) =	sbr.rel @p0 .LBB2_2-.Ltmp1, $4  }
0x23: {  	s19 =	sadd.s32 $0x80, s18;
	[sflag:s15] =	ssyncadd.s32 $0xFFFFC000  }
0x24: {  	[spmem:s3] =	stream.indirect.scatter.add.f32 [tilespmem:s14], [sflag:$0x2], $0x80, s19, s13, $0xb8;
	[tilespmem:$0x1E000] =	vst v63  }
0x25: {  	_ =	swait.ge [sflag:s12], $0x4000  }
0x26: {  	[sflag:s12] =	ssyncset.done $0x0  }
.LBB2_3:
0x27: {  	s16 =	sadd.s32 $0x1, s16  }
0x28: {  	[sflag:s12] =	ssyncadd.s32 $0xFFFFC000;
	p0 =	sne.s32 s16, s10  }
.Ltmp2:
0x29: {  	[bflag:$0x0] =	sbarrier.arrive $0xFFFF;
	(pc) =	sbr.rel @p0 .LBB2_1-.Ltmp2, $4  }
0x2a: {  	[hbm:s9], [sflag:s7] =	dma.local [spmem:s11], $0x2780  }
0x2b: {  	_ =	swait.ge [sflag:s12], $0x2780  }
0x2c: {  	[sflag:s12] =	ssyncset.done $0x0  }
0x2d: {  	[sflag:s12] =	ssyncadd.s32 $0xFFFFD880  }
0x2e: {  	_ =	sfence.sel $0x180000  }
0x2f: {  	[bflag:$0x0] =	sbarrier.arrive $0xFFFF  }
0x30: {  	p0 =	sne.s32 s0, $0x0;
	_ =	strace $0x9000004A  }
0x31: {  	s0 =	sadd.s32 @!p0 $0x100000, s1;
	[bflag:$0x2] =	sbarrier.arrive $0xFFFF  }
0x32: {  	[sflag:s0] =	ssyncadd.tile.s32 @!p0 $0x1;
	_ =	shalt  }
.Lfunc_end2:
_tile_overlayer_lowered:
.L_overlay_start_2:
0x33: {  	(tag) =	ssettag $0x2  }
0x34: {  	s0 =	rddreg [dreg:$0x0];
	s2 =	stileid.u32  }
0x35: {  	s1 =	rddreg [dreg:$0x1];
	p0 =	sne.s32 s2, $0x0  }
0x36: {  	s3 =	rddreg [dreg:$0x2];
	[bflag:$0x3] =	sbarrier.arrive $0xFFFF;
	s2 =	simm.s32 @!p0 $0x1C02  }
0x37: {  	[timem:s3], [sflag:s2] =	dma.local @!p0 [hbm:s0], s1  }
0x38: {  	s0 =	simm.s32 @!p0 $0x2  }
0x39: {  	_ =	swait.ge @!p0 [sflag:s0], s1  }
0x3a: {  	s1 =	ssub.s32 @!p0 $0x0, s1;
	[sflag:s0] =	ssyncset.done @!p0 $0x0  }
0x3b: {  	[sflag:s0] =	ssyncadd.s32 @!p0 s1  }
0x3c: {  	[bflag:$0x3] =	sbarrier.arrive $0xFFFF  }
0x3d: {  	_ =	shalt  }

// kernel: kernel.16.cloned.1.call-start
scs
__scs_entry_jumppad:
0x0: {  	(pc) =	sbr.rel $0x88, $3  }
0x1: {  	(tag) =	ssettag $0x0;
	lr =	simm.s32 $0x1  }
0x2: {  	[smem:$0x3F95] =	sst lr;
	_ =	strace $0xD0000000  }
0x3: {  	_ = 	snop  }
0x4: {  	_ = 	snop  }
0x5: {  	_ = 	snop  }
0x6: {  	_ = 	snop  }
0x7: {  	_ = 	snop  }
__scs_overlays_trampoline_lowered:
0x8: {  	[smem:$0x3FA4] =	sst s0  }
0x9: {  	[smem:$0x3FA5] =	sst s1  }
0xa: {  	[smem:$0x3FA6] =	sst s2  }
0xb: {  	[smem:$0x3FA7] =	sst s3  }
0xc: {  	[smem:$0x3FA8] =	sst s4  }
0xd: {  	[smem:$0x3FA9] =	sst s5  }
0xe: {  	[smem:$0x3FAA] =	sst s6  }
0xf: {  	[smem:$0x3FAB] =	sst s7  }
0x10: {  	[smem:$0x3FAC] =	sst s8  }
0x11: {  	[smem:$0x3FAD] =	sst s9;
	s0 =	simm.s32 @!p0 $0x0  }
0x12: {  	s1 =	sld [smem:$0x3F93];
	s0 =	simm.s32 @p0 $0x1  }
0x13: {  	[smem:$0x3FAE] =	sst s0;
	s0 =	simm.s32 @!p1 $0x0  }
0x14: {  	s2 =	sld [smem:$0x3F92];
	s0 =	simm.s32 @p1 $0x1  }
0x15: {  	[smem:$0x3FAF] =	sst s0;
	s0 =	simm.s32 @!p2 $0x0  }
0x16: {  	s3 =	sld [smem:$0x3FDB];
	s0 =	simm.s32 @p2 $0x1  }
0x17: {  	s4 =	simm.s32 $0x1BF5;
	[smem:$0x3FB1] =	sst s0  }
0x18: {  	s0 =	sld [smem:$0x3F94];
	_ =	swait.ge [sflag:s4], $0x0  }
0x19: {  	s7 =	sld [smem:$0x3F95]  }
0x1a: {  	s8 =	sadd.s32 $0xFFFFE003, lr  }
0x1b: {  	s9 =	sadd.s32 $0xFFFFFEF7, lr;
	s5 =	simm.s32 $0xFFFFFFFF;
	p2 =	slt.u32 s8, $0xFFFFF086  }
0x1c: {  	p1 =	slt.u32 s9, $0xF7A;
	s5 =	simm.s32 @!p2 $0x0  }
0x1d: {  	s5 =	simm.s32 @p1 $0x1;
	p0 =	seq.s32 s7, s2  }
0x1e: {  	s7 =	smul.u32 @!p0 $0xF7A, s2;
	p2 =	seq.s32 @!p0 s5, $0x0  }
0x1f: {  	s9 =	smul.u32 $0xF7A, s1;
	s8 =	simm.s32 @!p0 $0x1BF5;
	p2 =	por !p2, p0  }
0x20: {  	[sflag:s8] =	ssyncset.s32 @!p0 $0xFFFFF086;
	s6 =	sadd.s32 @!p0 s3, s7;
	s7 =	simm.s32 @!p0 $0x108  }
0x21: {  	s3 =	sadd.s32 s3, s9;
	s6 =	sadd.s32 @!p0 $0x88, s6;
	s7 =	simm.s32 @p2 $0x1082  }
0x22: {  	[simem:s7], [sflag:s8] =	dma.local @!p0 [hbm:s6], $0xF7A  }
0x23: {  	s9 =	sor.u32 $0xD0000000, s2;
	s6 =	simm.s32 $0x108;
	_ =	swait.ge @!p0 [sflag:s8], $0x0  }
0x24: {  	s3 =	sadd.s32 $0x88, s3;
	s6 =	simm.s32 @!p1 $0x1082;
	[sflag:s4] =	ssyncset.s32 $0xFFFFF086  }
0x25: {  	[simem:s6], [sflag:s4] =	dma.local [hbm:s3], $0xF7A  }
0x26: {  	[smem:$0x3F95] =	sst s1;
	(tag) =	ssettag s2;
	_ =	strace s9  }
0x27: {  	s1 =	sld [smem:$0x3FA5]  }
0x28: {  	s2 =	sld [smem:$0x3FA6]  }
0x29: {  	s4 =	sld [smem:$0x3FA8]  }
0x2a: {  	p0 =	seq.s32 s5, $0x0;
	s5 =	sld [smem:$0x3FA9]  }
0x2b: {  	s6 =	sld [smem:$0x3FAA]  }
0x2c: {  	s7 =	sld [smem:$0x3FAB]  }
0x2d: {  	s3 =	simm.s32 $0x108;
	s8 =	sld [smem:$0x3FAC]  }
0x2e: {  	s3 =	simm.s32 @!p0 $0x1082;
	s9 =	sld [smem:$0x3FAD]  }
0x2f: {  	lr =	sadd.s32 s0, s3;
	s0 =	sld [smem:$0x3FA4]  }
0x30: {  	s3 =	sld [smem:$0x3FA7]  }
0x31: {  	[smem:$0x3FB0] =	sst s10  }
0x32: {  	s10 =	sld [smem:$0x3FAE];
	_ =	sdelay $0x3  }
0x33: {  	p0 =	seq.s32 s10, $0x1;
	s10 =	sld [smem:$0x3FB0];
	_ =	sdelay $0x3  }
0x34: {  	[smem:$0x3FB0] =	sst s10  }
0x35: {  	s10 =	sld [smem:$0x3FAF];
	_ =	sdelay $0x3  }
0x36: {  	p1 =	seq.s32 s10, $0x1;
	s10 =	sld [smem:$0x3FB0];
	_ =	sdelay $0x3  }
0x37: {  	[smem:$0x3FB0] =	sst s10  }
0x38: {  	s10 =	sld [smem:$0x3FB1]  }
0x39: {  	_ = 	snop;
	(pc) =	sbr.ind lr, $3  }
0x3a: {  	_ = 	snop  }
0x3b: {  	_ = 	snop  }
0x3c: {  	p2 =	seq.s32 s10, $0x1;
	s10 =	sld [smem:$0x3FB0]  }
0x3d: {  	_ =	shalt  }
0x3e: {  	_ =	shalt  }
0x3f: {  	_ =	shalt  }
0x40: {  	_ =	shalt  }
0x41: {  	_ =	shalt  }
0x42: {  	_ =	shalt  }
0x43: {  	_ =	shalt  }
0x44: {  	_ =	shalt  }
0x45: {  	_ =	shalt  }
0x46: {  	_ =	shalt  }
0x47: {  	_ =	shalt  }
0x48: {  	_ =	shalt  }
0x49: {  	_ =	shalt  }
0x4a: {  	_ =	shalt  }
0x4b: {  	_ =	shalt  }
0x4c: {  	_ =	shalt  }
0x4d: {  	_ =	shalt  }
0x4e: {  	_ =	shalt  }
0x4f: {  	_ =	shalt  }
0x50: {  	_ =	shalt  }
0x51: {  	_ =	shalt  }
0x52: {  	_ =	shalt  }
0x53: {  	_ =	shalt  }
0x54: {  	_ =	shalt  }
0x55: {  	_ =	shalt  }
0x56: {  	_ =	shalt  }
0x57: {  	_ =	shalt  }
0x58: {  	_ =	shalt  }
0x59: {  	_ =	shalt  }
0x5a: {  	_ =	shalt  }
0x5b: {  	_ =	shalt  }
0x5c: {  	_ =	shalt  }
0x5d: {  	_ =	shalt  }
0x5e: {  	_ =	shalt  }
0x5f: {  	_ =	shalt  }
0x60: {  	_ =	shalt  }
0x61: {  	_ =	shalt  }
0x62: {  	_ =	shalt  }
0x63: {  	_ =	shalt  }
0x64: {  	_ =	shalt  }
0x65: {  	_ =	shalt  }
0x66: {  	_ =	shalt  }
0x67: {  	_ =	shalt  }
0x68: {  	_ =	shalt  }
0x69: {  	_ =	shalt  }
0x6a: {  	_ =	shalt  }
0x6b: {  	_ =	shalt  }
0x6c: {  	_ =	shalt  }
0x6d: {  	_ =	shalt  }
0x6e: {  	_ =	shalt  }
0x6f: {  	_ =	shalt  }
0x70: {  	_ =	shalt  }
0x71: {  	_ =	shalt  }
0x72: {  	_ =	shalt  }
0x73: {  	_ =	shalt  }
0x74: {  	_ =	shalt  }
0x75: {  	_ =	shalt  }
0x76: {  	_ =	shalt  }
0x77: {  	_ =	shalt  }
0x78: {  	_ =	shalt  }
0x79: {  	_ =	shalt  }
0x7a: {  	_ =	shalt  }
0x7b: {  	_ =	shalt  }
0x7c: {  	_ =	shalt  }
0x7d: {  	_ =	shalt  }
0x7e: {  	_ =	shalt  }
0x7f: {  	_ =	shalt  }
0x80: {  	_ =	shalt  }
0x81: {  	_ =	shalt  }
0x82: {  	_ =	shalt  }
0x83: {  	_ =	shalt  }
0x84: {  	_ =	shalt  }
0x85: {  	_ =	shalt  }
0x86: {  	_ =	shalt  }
0x87: {  	_ =	shalt  }
.Lfunc_end0:
.L_simem_size_0:
called_computation.2_lowered:
.L_overlay_start_0:
0x88: {  	s2 =	sld [smem:$0x3FD9]  }
0x89: {  	s3 =	sld [smem:$0x3FFE];
	_ =	sdelay $0x1  }
0x8a: {  	s1 =	srdreg.scid  }
0x8b: {  	s0 =	sand.u32 $0x1, s1  }
0x8c: {  	s17 =	sshll.u32 s0, $0xA;
	s2 =	sadd.s32 s3, s2  }
0x8d: {  	s2 =	sadd.s32 s2, s17  }
0x8e: {  	[smem:$0x3FBC] =	sst s2  }
0x8f: {  	_ = 	snop  }
0x90: {  	s2 =	sld [smem:$0x3FD0];
	(tm) =	ssettm $0x1  }
0x91: {  	s18 =	sld [smem:$0x3FFB];
	_ =	sdelay $0x3  }
0x92: {  	_ =	strace s18  }
0x93: {  	s3 =	sld [smem:$0x3FFC];
	_ =	sdelay $0x3  }
0x94: {  	_ =	strace s3  }
0x95: {  	s3 =	sld [smem:$0x3FFD];
	_ =	sdelay $0x3  }
0x96: {  	_ =	strace s3  }
0x97: {  	_ =	strace $0x8FFFFFFF  }
0x98: {  	s19 =	sld [smem:$0x3FDB];
	_ =	sdelay $0x1  }
0x99: {  	s4 =	simm.s32 $_scs_section_size  }
0x9a: {  	s5 =	simm.s32 $_size__tile_overlayer_lowered;
	s6 =	simm.s32 $_tile_overlayer_lowered  }
0x9b: {  	s22 =	simm.s32 $0x1BFF;
	s21 =	sshll.u32 s6, $0x1;
	s3 =	sadd.s32 s4, s19  }
0x9c: {  	s7 =	simm.s32 $0x0;
	s20 =	sshll.u32 s5, $0x1;
	s5 =	sadd.s32 s21, s3  }
0x9d: {  	[timem:s7], [sflag:s22] =	dma.local [hbm:s5], s20  }
0x9e: {  	_ =	swait.ge [sflag:s22], s20  }
0x9f: {  	s4 =	ssub.s32 $0x0, s20;
	[sflag:s22] =	ssyncset.done $0x0  }
0xa0: {  	[sflag:s22] =	ssyncadd.s32 s4;
	_ =	sdelay $0x1  }
0xa1: {  	s23 =	simm.s32 $0x1B8B  }
0xa2: {  	_ =	swait.ge [sflag:s23], $0x1  }
0xa3: {  	[sflag:s23] =	ssyncset.done $0x0  }
0xa4: {  	s25 =	simm.s32 $0x1B8E;
	s24 =	sld [smem:$0x3FFE];
	[sflag:s23] =	ssyncadd.s32 $0xFFFFFFFF  }
0xa5: {  	s26 =	simm.s32 $execute0_lowered;
	[smem:$0x3FD2] =	sst s25  }
0xa6: {  	s5 =	sshll.u32 s26, $0x1;
	_ =	strace $0x8000004C;
	[dreg:$0x1] =	wrdreg $0xFFFFFFFF  }
0xa7: {  	s28 =	simm.s32 $_size_execute0_lowered;
	s3 =	sadd.s32 s3, s5;
	[dreg:$0x0] =	wrdreg $0x0  }
0xa8: {  	s5 =	sshll.u32 s28, $0x1;
	[dreg:$0x2] =	wrdreg s3  }
0xa9: {  	[dreg:$0x3] =	wrdreg s5  }
0xaa: {  	[dreg:$0x4] =	wrdreg $0xC0  }
0xab: {  	_ =	task [dreg:s7], $0x5FFFF  }
0xac: {  	[dreg:$0x1] =	wrdreg $0xFFFFFFFF  }
0xad: {  	[dreg:$0x0] =	wrdreg $0x60  }
0xae: {  	[dreg:$0x2] =	wrdreg s24  }
0xaf: {  	[dreg:$0x3] =	wrdreg s2  }
0xb0: {  	[dreg:$0x4] =	wrdreg $0xA4000  }
0xb1: {  	[dreg:$0x5] =	wrdreg $0x9  }
0xb2: {  	_ =	task.clear_ibuf [dreg:s7], $0x6FFFF;
	_ =	strace $0x9000004C  }
0xb3: {  	s29 =	simm.s32 $0x9;
	_ =	strace $0x8000004E  }
0xb4: {  	_ =	swait.ge [sflag:s29], $0x1  }
0xb5: {  	[sflag:s29] =	ssyncadd.s32 $0xFFFFFFFF  }
0xb6: {  	_ =	strace $0x9000004E  }
0xb7: {  	_ =	sfence  }
0xb8: {  	s30 =	sld [smem:$0x0];
	_ =	sdelay $0x2  }
0xb9: {  	s31 =	sshll.u32 s1, $0xD;
	s1 =	sshrl.u32 s1, $0x2  }
0xba: {  	s3 =	sand.u32 $0x4000, s31;
	s1 =	sadd.s32 s1, s30  }
0xbb: {  	s0 =	sor.u32 s3, s0;
	s1 =	sshll.u32 s1, $0x11  }
0xbc: {  	s0 =	sor.u32 s1, s0  }
0xbd: {  	s0 =	sadd.s32 $0x8F2B, s0  }
0xbe: {  	[sflag:s0] =	ssyncadd.remote.s32 $0x1  }
0xbf: {  	_ =	sfence.sel $0xFFFF  }
0xc0: {  	[dreg:$0x0] =	wrdreg $0xFFFFFFFF;
	(pc) =	sbr.abs _section_cstart, $3  }
0xc1: {  	[dreg:$0x1] =	wrdreg $0xFFFFFFFF  }
0xc2: {  	_ =	task.clear_ibuf [dreg:s7], $0x2FFFF;
	_ =	strace $0x9FFFFFFF  }
0xc3: {  	(tm) =	ssettm $0x7FFFFFFF  }
tec
execute0_lowered:
.L_overlay_start_1:
0x0: {  	(tag) =	ssettag $0x1  }
0x1: {  	s1 =	srdreg.scid;
	s6 =	rddreg [dreg:$0x0]  }
0x2: {  	s0 =	stileid.u32;
	s2 =	rddreg [dreg:$0x1]  }
0x3: {  	s3 =	rddreg [dreg:$0x2];
	s4 =	simm.s32 $0x0;
	s14 =	simm.s32 $0x6400  }
0x4: {  	s15 =	simm.s32 $0x1;
	s16 =	simm.s32 $0x0;
	s7 =	sand.u32 $0x1, s1  }
0x5: {  	s28 =	sshll.u32 s0, $0x1;
	[smem:$0x7FF] =	sst s4;
	s9 =	smul.u32 $0x13C00, s0  }
0x6: {  	s12 =	smul.u32 $0x4F000, s0;
	s31 =	sshll.u32 s0, $0x6;
	s1 =	sor.u32 s7, s28  }
0x7: {  	s8 =	smul.u32 $0x13C000, s7;
	s29 =	ssub.s32 $0x2, s7;
	p0 =	seq.s32 s7, $0x0  }
0x8: {  	s7 =	sor.u32 $0x1C02, s31;
	s5 =	smul.u32 $0xC80, s1;
	s1 =	rddreg [dreg:$0x3]  }
0x9: {  	_ =	strace $0x8000004D;
	s11 =	sshrl.u32 s29, $0x1;
	s30 =	sshrl.u32 s12, $0x2  }
0xa: {  	s8 =	sadd.s32 s9, s8;
	s11 =	ssub.s32 s29, s11;
	s12 =	sadd.s32 s30, s3  }
0xb: {  	s10 =	sadd.s32 s5, s6;
	s5 =	sadd.s32 $0x1C200, s6;
	s8 =	sshrl.u32 s8, $0x3  }
0xc: {  	s13 =	sadd.s32 s8, s6;
	s6 =	simm.s32 $0x64;
	s8 =	sadd.s32 $0x3200, s10  }
0xd: {  	s10 =	smax.u32 s11, $0x1;
	s11 =	sshrl.u32 s12, $0x3;
	s12 =	simm.s32 $0x2  }
0xe: {  	s6 =	simm.s32 @!p0 $0x39;
	s9 =	sadd.s32 $0x1EA00, s13;
	s13 =	simm.s32 $0x80  }
.LBB2_1:
0xf: {  	[spmem:s11], [sflag:s7] =	dma.local [hbm:s5], $0x2780  }
0x10: {  	_ =	swait.ge [sflag:s12], $0x2780  }
0x11: {  	[sflag:s12] =	ssyncset.done $0x0  }
0x12: {  	[sflag:s12] =	ssyncadd.s32 $0xFFFFD880  }
0x13: {  	[tilespmem:s4], [sflag:$0x2] =	stream.linear.gather [hbm4b:s8+s4], $0x6400, $0x38;
	[tilespmem:$0x1E000] =	vst v63  }
0x14: {  	_ =	swait.ge [sflag:s12], $0x6400  }
0x15: {  	[sflag:s12] =	ssyncset.done $0x0  }
0x16: {  	[sflag:s12] =	ssyncadd.s32 $0xFFFF9C00  }
0x17: {  	[bflag:$0x0] =	sbarrier.arrive $0xFFFF  }
0x18: {  	[tilespmem:s14], [sflag:$0x1] =	stream.indirect.gather [hbm4b:s2+s13], $0x80, s4, s13, $0xb8;
	[tilespmem:$0x1E000] =	vst v63  }
0x19: {  	p0 =	sne.s32 s6, $0x1;
	_ =	swait.ge [sflag:s15], $0x4000  }
.Ltmp0:
0x1a: {  	[sflag:s15] =	ssyncset.done $0x0;
	(pc) =	sbr.rel @!p0 .LBB2_3-.Ltmp0, $4  }
0x1b: {  	s17 =	simm.s32 $0x80;
	[sflag:s15] =	ssyncadd.s32 $0xFFFFC000  }
0x1c: {  	[spmem:s3] =	stream.indirect.scatter.add.f32 [tilespmem:s14], [sflag:$0x2], $0x80, s17, s13, $0xb8;
	[tilespmem:$0x1E000] =	vst v63  }
0x1d: {  	_ =	swait.ge [sflag:s12], $0x4000  }
0x1e: {  	s18 =	simm.s32 $0x0;
	s17 =	sadd.s32 $0xFFFFFFFF, s6;
	[sflag:s12] =	ssyncset.done $0x0  }
.LBB2_2:
0x1f: {  	p0 =	sne.s32 s17, $0x1;
	[sflag:s12] =	ssyncadd.s32 $0xFFFFC000;
	s18 =	sadd.s32 $0x100, s18  }
0x20: {  	[tilespmem:s14], [sflag:$0x1] =	stream.indirect.gather [hbm4b:s2+s13], $0x80, s18, s13, $0xb8;
	[tilespmem:$0x1E000] =	vst v63  }
0x21: {  	s17 =	sadd.s32 $0xFFFFFFFF, s17;
	_ =	swait.ge [sflag:s15], $0x4000  }
.Ltmp1:
0x22: {  	[sflag:s15] =	ssyncset.done $0x0;
	(pc) =	sbr.rel @p0 .LBB2_2-.Ltmp1, $4  }
0x23: {  	s19 =	sadd.s32 $0x80, s18;
	[sflag:s15] =	ssyncadd.s32 $0xFFFFC000  }
0x24: {  	[spmem:s3] =	stream.indirect.scatter.add.f32 [tilespmem:s14], [sflag:$0x2], $0x80, s19, s13, $0xb8;
	[tilespmem:$0x1E000] =	vst v63  }
0x25: {  	_ =	swait.ge [sflag:s12], $0x4000  }
0x26: {  	[sflag:s12] =	ssyncset.done $0x0  }
.LBB2_3:
0x27: {  	s16 =	sadd.s32 $0x1, s16  }
0x28: {  	[sflag:s12] =	ssyncadd.s32 $0xFFFFC000;
	p0 =	sne.s32 s16, s10  }
.Ltmp2:
0x29: {  	[bflag:$0x0] =	sbarrier.arrive $0xFFFF;
	(pc) =	sbr.rel @p0 .LBB2_1-.Ltmp2, $4  }
0x2a: {  	[hbm:s9], [sflag:s7] =	dma.local [spmem:s11], $0x2780  }
0x2b: {  	_ =	swait.ge [sflag:s12], $0x2780  }
0x2c: {  	[sflag:s12] =	ssyncset.done $0x0  }
0x2d: {  	[sflag:s12] =	ssyncadd.s32 $0xFFFFD880  }
0x2e: {  	_ =	sfence.sel $0x180000  }
0x2f: {  	[bflag:$0x0] =	sbarrier.arrive $0xFFFF  }
0x30: {  	p0 =	sne.s32 s0, $0x0;
	_ =	strace $0x9000004D  }
0x31: {  	s0 =	sadd.s32 @!p0 $0x100000, s1;
	[bflag:$0x2] =	sbarrier.arrive $0xFFFF  }
0x32: {  	[sflag:s0] =	ssyncadd.tile.s32 @!p0 $0x1;
	_ =	shalt  }
.Lfunc_end2:
_tile_overlayer_lowered:
.L_overlay_start_2:
0x33: {  	(tag) =	ssettag $0x2  }
0x34: {  	s0 =	rddreg [dreg:$0x0];
	s2 =	stileid.u32  }
0x35: {  	s1 =	rddreg [dreg:$0x1];
	p0 =	sne.s32 s2, $0x0  }
0x36: {  	s3 =	rddreg [dreg:$0x2];
	[bflag:$0x3] =	sbarrier.arrive $0xFFFF;
	s2 =	simm.s32 @!p0 $0x1C02  }
0x37: {  	[timem:s3], [sflag:s2] =	dma.local @!p0 [hbm:s0], s1  }
0x38: {  	s0 =	simm.s32 @!p0 $0x2  }
0x39: {  	_ =	swait.ge @!p0 [sflag:s0], s1  }
0x3a: {  	s1 =	ssub.s32 @!p0 $0x0, s1;
	[sflag:s0] =	ssyncset.done @!p0 $0x0  }
0x3b: {  	[sflag:s0] =	ssyncadd.s32 @!p0 s1  }
0x3c: {  	[bflag:$0x3] =	sbarrier.arrive $0xFFFF  }
0x3d: {  	_ =	shalt  }

// kernel: kernel.19.cloned.1.call-start
scs
__scs_entry_jumppad:
0x0: {  	(pc) =	sbr.rel $0x88, $3  }
0x1: {  	(tag) =	ssettag $0x0;
	lr =	simm.s32 $0x1  }
0x2: {  	[smem:$0x3F95] =	sst lr;
	_ =	strace $0xD0000000  }
0x3: {  	_ = 	snop  }
0x4: {  	_ = 	snop  }
0x5: {  	_ = 	snop  }
0x6: {  	_ = 	snop  }
0x7: {  	_ = 	snop  }
__scs_overlays_trampoline_lowered:
0x8: {  	[smem:$0x3FA4] =	sst s0  }
0x9: {  	[smem:$0x3FA5] =	sst s1  }
0xa: {  	[smem:$0x3FA6] =	sst s2  }
0xb: {  	[smem:$0x3FA7] =	sst s3  }
0xc: {  	[smem:$0x3FA8] =	sst s4  }
0xd: {  	[smem:$0x3FA9] =	sst s5  }
0xe: {  	[smem:$0x3FAA] =	sst s6  }
0xf: {  	[smem:$0x3FAB] =	sst s7  }
0x10: {  	[smem:$0x3FAC] =	sst s8  }
0x11: {  	[smem:$0x3FAD] =	sst s9;
	s0 =	simm.s32 @!p0 $0x0  }
0x12: {  	s1 =	sld [smem:$0x3F93];
	s0 =	simm.s32 @p0 $0x1  }
0x13: {  	[smem:$0x3FAE] =	sst s0;
	s0 =	simm.s32 @!p1 $0x0  }
0x14: {  	s2 =	sld [smem:$0x3F92];
	s0 =	simm.s32 @p1 $0x1  }
0x15: {  	[smem:$0x3FAF] =	sst s0;
	s0 =	simm.s32 @!p2 $0x0  }
0x16: {  	s3 =	sld [smem:$0x3FDB];
	s0 =	simm.s32 @p2 $0x1  }
0x17: {  	s4 =	simm.s32 $0x1BF5;
	[smem:$0x3FB1] =	sst s0  }
0x18: {  	s0 =	sld [smem:$0x3F94];
	_ =	swait.ge [sflag:s4], $0x0  }
0x19: {  	s7 =	sld [smem:$0x3F95]  }
0x1a: {  	s8 =	sadd.s32 $0xFFFFE003, lr  }
0x1b: {  	s9 =	sadd.s32 $0xFFFFFEF7, lr;
	s5 =	simm.s32 $0xFFFFFFFF;
	p2 =	slt.u32 s8, $0xFFFFF086  }
0x1c: {  	p1 =	slt.u32 s9, $0xF7A;
	s5 =	simm.s32 @!p2 $0x0  }
0x1d: {  	s5 =	simm.s32 @p1 $0x1;
	p0 =	seq.s32 s7, s2  }
0x1e: {  	s7 =	smul.u32 @!p0 $0xF7A, s2;
	p2 =	seq.s32 @!p0 s5, $0x0  }
0x1f: {  	s9 =	smul.u32 $0xF7A, s1;
	s8 =	simm.s32 @!p0 $0x1BF5;
	p2 =	por !p2, p0  }
0x20: {  	[sflag:s8] =	ssyncset.s32 @!p0 $0xFFFFF086;
	s6 =	sadd.s32 @!p0 s3, s7;
	s7 =	simm.s32 @!p0 $0x108  }
0x21: {  	s3 =	sadd.s32 s3, s9;
	s6 =	sadd.s32 @!p0 $0x88, s6;
	s7 =	simm.s32 @p2 $0x1082  }
0x22: {  	[simem:s7], [sflag:s8] =	dma.local @!p0 [hbm:s6], $0xF7A  }
0x23: {  	s9 =	sor.u32 $0xD0000000, s2;
	s6 =	simm.s32 $0x108;
	_ =	swait.ge @!p0 [sflag:s8], $0x0  }
0x24: {  	s3 =	sadd.s32 $0x88, s3;
	s6 =	simm.s32 @!p1 $0x1082;
	[sflag:s4] =	ssyncset.s32 $0xFFFFF086  }
0x25: {  	[simem:s6], [sflag:s4] =	dma.local [hbm:s3], $0xF7A  }
0x26: {  	[smem:$0x3F95] =	sst s1;
	(tag) =	ssettag s2;
	_ =	strace s9  }
0x27: {  	s1 =	sld [smem:$0x3FA5]  }
0x28: {  	s2 =	sld [smem:$0x3FA6]  }
0x29: {  	s4 =	sld [smem:$0x3FA8]  }
0x2a: {  	p0 =	seq.s32 s5, $0x0;
	s5 =	sld [smem:$0x3FA9]  }
0x2b: {  	s6 =	sld [smem:$0x3FAA]  }
0x2c: {  	s7 =	sld [smem:$0x3FAB]  }
0x2d: {  	s3 =	simm.s32 $0x108;
	s8 =	sld [smem:$0x3FAC]  }
0x2e: {  	s3 =	simm.s32 @!p0 $0x1082;
	s9 =	sld [smem:$0x3FAD]  }
0x2f: {  	lr =	sadd.s32 s0, s3;
	s0 =	sld [smem:$0x3FA4]  }
0x30: {  	s3 =	sld [smem:$0x3FA7]  }
0x31: {  	[smem:$0x3FB0] =	sst s10  }
0x32: {  	s10 =	sld [smem:$0x3FAE];
	_ =	sdelay $0x3  }
0x33: {  	p0 =	seq.s32 s10, $0x1;
	s10 =	sld [smem:$0x3FB0];
	_ =	sdelay $0x3  }
0x34: {  	[smem:$0x3FB0] =	sst s10  }
0x35: {  	s10 =	sld [smem:$0x3FAF];
	_ =	sdelay $0x3  }
0x36: {  	p1 =	seq.s32 s10, $0x1;
	s10 =	sld [smem:$0x3FB0];
	_ =	sdelay $0x3  }
0x37: {  	[smem:$0x3FB0] =	sst s10  }
0x38: {  	s10 =	sld [smem:$0x3FB1]  }
0x39: {  	_ = 	snop;
	(pc) =	sbr.ind lr, $3  }
0x3a: {  	_ = 	snop  }
0x3b: {  	_ = 	snop  }
0x3c: {  	p2 =	seq.s32 s10, $0x1;
	s10 =	sld [smem:$0x3FB0]  }
0x3d: {  	_ =	shalt  }
0x3e: {  	_ =	shalt  }
0x3f: {  	_ =	shalt  }
0x40: {  	_ =	shalt  }
0x41: {  	_ =	shalt  }
0x42: {  	_ =	shalt  }
0x43: {  	_ =	shalt  }
0x44: {  	_ =	shalt  }
0x45: {  	_ =	shalt  }
0x46: {  	_ =	shalt  }
0x47: {  	_ =	shalt  }
0x48: {  	_ =	shalt  }
0x49: {  	_ =	shalt  }
0x4a: {  	_ =	shalt  }
0x4b: {  	_ =	shalt  }
0x4c: {  	_ =	shalt  }
0x4d: {  	_ =	shalt  }
0x4e: {  	_ =	shalt  }
0x4f: {  	_ =	shalt  }
0x50: {  	_ =	shalt  }
0x51: {  	_ =	shalt  }
0x52: {  	_ =	shalt  }
0x53: {  	_ =	shalt  }
0x54: {  	_ =	shalt  }
0x55: {  	_ =	shalt  }
0x56: {  	_ =	shalt  }
0x57: {  	_ =	shalt  }
0x58: {  	_ =	shalt  }
0x59: {  	_ =	shalt  }
0x5a: {  	_ =	shalt  }
0x5b: {  	_ =	shalt  }
0x5c: {  	_ =	shalt  }
0x5d: {  	_ =	shalt  }
0x5e: {  	_ =	shalt  }
0x5f: {  	_ =	shalt  }
0x60: {  	_ =	shalt  }
0x61: {  	_ =	shalt  }
0x62: {  	_ =	shalt  }
0x63: {  	_ =	shalt  }
0x64: {  	_ =	shalt  }
0x65: {  	_ =	shalt  }
0x66: {  	_ =	shalt  }
0x67: {  	_ =	shalt  }
0x68: {  	_ =	shalt  }
0x69: {  	_ =	shalt  }
0x6a: {  	_ =	shalt  }
0x6b: {  	_ =	shalt  }
0x6c: {  	_ =	shalt  }
0x6d: {  	_ =	shalt  }
0x6e: {  	_ =	shalt  }
0x6f: {  	_ =	shalt  }
0x70: {  	_ =	shalt  }
0x71: {  	_ =	shalt  }
0x72: {  	_ =	shalt  }
0x73: {  	_ =	shalt  }
0x74: {  	_ =	shalt  }
0x75: {  	_ =	shalt  }
0x76: {  	_ =	shalt  }
0x77: {  	_ =	shalt  }
0x78: {  	_ =	shalt  }
0x79: {  	_ =	shalt  }
0x7a: {  	_ =	shalt  }
0x7b: {  	_ =	shalt  }
0x7c: {  	_ =	shalt  }
0x7d: {  	_ =	shalt  }
0x7e: {  	_ =	shalt  }
0x7f: {  	_ =	shalt  }
0x80: {  	_ =	shalt  }
0x81: {  	_ =	shalt  }
0x82: {  	_ =	shalt  }
0x83: {  	_ =	shalt  }
0x84: {  	_ =	shalt  }
0x85: {  	_ =	shalt  }
0x86: {  	_ =	shalt  }
0x87: {  	_ =	shalt  }
.Lfunc_end0:
.L_simem_size_0:
called_computation.3_lowered:
.L_overlay_start_0:
0x88: {  	s2 =	sld [smem:$0x3FD9]  }
0x89: {  	s3 =	sld [smem:$0x3FFE];
	_ =	sdelay $0x1  }
0x8a: {  	s1 =	srdreg.scid  }
0x8b: {  	s0 =	sand.u32 $0x1, s1  }
0x8c: {  	s17 =	sshll.u32 s0, $0xA;
	s2 =	sadd.s32 s3, s2  }
0x8d: {  	s2 =	sadd.s32 s2, s17  }
0x8e: {  	[smem:$0x3FBC] =	sst s2  }
0x8f: {  	_ = 	snop  }
0x90: {  	s2 =	sld [smem:$0x3FD0];
	(tm) =	ssettm $0x1  }
0x91: {  	s18 =	sld [smem:$0x3FFB];
	_ =	sdelay $0x3  }
0x92: {  	_ =	strace s18  }
0x93: {  	s3 =	sld [smem:$0x3FFC];
	_ =	sdelay $0x3  }
0x94: {  	_ =	strace s3  }
0x95: {  	s3 =	sld [smem:$0x3FFD];
	_ =	sdelay $0x3  }
0x96: {  	_ =	strace s3  }
0x97: {  	_ =	strace $0x8FFFFFFF  }
0x98: {  	s19 =	sld [smem:$0x3FDB];
	_ =	sdelay $0x1  }
0x99: {  	s4 =	simm.s32 $_scs_section_size  }
0x9a: {  	s5 =	simm.s32 $_size__tile_overlayer_lowered;
	s6 =	simm.s32 $_tile_overlayer_lowered  }
0x9b: {  	s22 =	simm.s32 $0x1BFF;
	s21 =	sshll.u32 s6, $0x1;
	s3 =	sadd.s32 s4, s19  }
0x9c: {  	s7 =	simm.s32 $0x0;
	s20 =	sshll.u32 s5, $0x1;
	s5 =	sadd.s32 s21, s3  }
0x9d: {  	[timem:s7], [sflag:s22] =	dma.local [hbm:s5], s20  }
0x9e: {  	_ =	swait.ge [sflag:s22], s20  }
0x9f: {  	s4 =	ssub.s32 $0x0, s20;
	[sflag:s22] =	ssyncset.done $0x0  }
0xa0: {  	[sflag:s22] =	ssyncadd.s32 s4;
	_ =	sdelay $0x1  }
0xa1: {  	s23 =	simm.s32 $0x1B8B  }
0xa2: {  	_ =	swait.ge [sflag:s23], $0x1  }
0xa3: {  	[sflag:s23] =	ssyncset.done $0x0  }
0xa4: {  	s25 =	simm.s32 $0x1B8E;
	s24 =	sld [smem:$0x3FFE];
	[sflag:s23] =	ssyncadd.s32 $0xFFFFFFFF  }
0xa5: {  	s26 =	simm.s32 $execute0_lowered;
	[smem:$0x3FD2] =	sst s25  }
0xa6: {  	s5 =	sshll.u32 s26, $0x1;
	_ =	strace $0x8000004F;
	[dreg:$0x1] =	wrdreg $0xFFFFFFFF  }
0xa7: {  	s28 =	simm.s32 $_size_execute0_lowered;
	s3 =	sadd.s32 s3, s5;
	[dreg:$0x0] =	wrdreg $0x0  }
0xa8: {  	s5 =	sshll.u32 s28, $0x1;
	[dreg:$0x2] =	wrdreg s3  }
0xa9: {  	[dreg:$0x3] =	wrdreg s5  }
0xaa: {  	[dreg:$0x4] =	wrdreg $0xC0  }
0xab: {  	_ =	task [dreg:s7], $0x5FFFF  }
0xac: {  	[dreg:$0x1] =	wrdreg $0xFFFFFFFF  }
0xad: {  	[dreg:$0x0] =	wrdreg $0x60  }
0xae: {  	[dreg:$0x2] =	wrdreg s24  }
0xaf: {  	[dreg:$0x3] =	wrdreg s2  }
0xb0: {  	[dreg:$0x4] =	wrdreg $0xA4000  }
0xb1: {  	[dreg:$0x5] =	wrdreg $0x9  }
0xb2: {  	_ =	task.clear_ibuf [dreg:s7], $0x6FFFF;
	_ =	strace $0x9000004F  }
0xb3: {  	s29 =	simm.s32 $0x9;
	_ =	strace $0x80000051  }
0xb4: {  	_ =	swait.ge [sflag:s29], $0x1  }
0xb5: {  	[sflag:s29] =	ssyncadd.s32 $0xFFFFFFFF  }
0xb6: {  	_ =	strace $0x90000051  }
0xb7: {  	_ =	sfence  }
0xb8: {  	s30 =	sld [smem:$0x0];
	_ =	sdelay $0x2  }
0xb9: {  	s31 =	sshll.u32 s1, $0xD;
	s1 =	sshrl.u32 s1, $0x2  }
0xba: {  	s3 =	sand.u32 $0x4000, s31;
	s1 =	sadd.s32 s1, s30  }
0xbb: {  	s0 =	sor.u32 s3, s0;
	s1 =	sshll.u32 s1, $0x11  }
0xbc: {  	s0 =	sor.u32 s1, s0  }
0xbd: {  	s0 =	sadd.s32 $0x8F2B, s0  }
0xbe: {  	[sflag:s0] =	ssyncadd.remote.s32 $0x1  }
0xbf: {  	_ =	sfence.sel $0xFFFF  }
0xc0: {  	[dreg:$0x0] =	wrdreg $0xFFFFFFFF;
	(pc) =	sbr.abs _section_cstart, $3  }
0xc1: {  	[dreg:$0x1] =	wrdreg $0xFFFFFFFF  }
0xc2: {  	_ =	task.clear_ibuf [dreg:s7], $0x2FFFF;
	_ =	strace $0x9FFFFFFF  }
0xc3: {  	(tm) =	ssettm $0x7FFFFFFF  }
tec
execute0_lowered:
.L_overlay_start_1:
0x0: {  	(tag) =	ssettag $0x1  }
0x1: {  	s1 =	srdreg.scid;
	s6 =	rddreg [dreg:$0x0]  }
0x2: {  	s0 =	stileid.u32;
	s2 =	rddreg [dreg:$0x1]  }
0x3: {  	s3 =	rddreg [dreg:$0x2];
	s4 =	simm.s32 $0x0;
	s14 =	simm.s32 $0x6400  }
0x4: {  	s15 =	simm.s32 $0x1;
	s16 =	simm.s32 $0x0;
	s7 =	sand.u32 $0x1, s1  }
0x5: {  	s28 =	sshll.u32 s0, $0x1;
	[smem:$0x7FF] =	sst s4;
	s9 =	smul.u32 $0x13C00, s0  }
0x6: {  	s12 =	smul.u32 $0x4F000, s0;
	s31 =	sshll.u32 s0, $0x6;
	s1 =	sor.u32 s7, s28  }
0x7: {  	s8 =	smul.u32 $0x13C000, s7;
	s29 =	ssub.s32 $0x2, s7;
	p0 =	seq.s32 s7, $0x0  }
0x8: {  	s7 =	sor.u32 $0x1C02, s31;
	s5 =	smul.u32 $0xC80, s1;
	s1 =	rddreg [dreg:$0x3]  }
0x9: {  	_ =	strace $0x80000050;
	s11 =	sshrl.u32 s29, $0x1;
	s30 =	sshrl.u32 s12, $0x2  }
0xa: {  	s8 =	sadd.s32 s9, s8;
	s11 =	ssub.s32 s29, s11;
	s12 =	sadd.s32 s30, s3  }
0xb: {  	s10 =	sadd.s32 s5, s6;
	s5 =	sadd.s32 $0x1C200, s6;
	s8 =	sshrl.u32 s8, $0x3  }
0xc: {  	s13 =	sadd.s32 s8, s6;
	s6 =	simm.s32 $0x64;
	s8 =	sadd.s32 $0x3200, s10  }
0xd: {  	s10 =	smax.u32 s11, $0x1;
	s11 =	sshrl.u32 s12, $0x3;
	s12 =	simm.s32 $0x2  }
0xe: {  	s6 =	simm.s32 @!p0 $0x39;
	s9 =	sadd.s32 $0x1EA00, s13;
	s13 =	simm.s32 $0x80  }
.LBB2_1:
0xf: {  	[spmem:s11], [sflag:s7] =	dma.local [hbm:s5], $0x2780  }
0x10: {  	_ =	swait.ge [sflag:s12], $0x2780  }
0x11: {  	[sflag:s12] =	ssyncset.done $0x0  }
0x12: {  	[sflag:s12] =	ssyncadd.s32 $0xFFFFD880  }
0x13: {  	[tilespmem:s4], [sflag:$0x2] =	stream.linear.gather [hbm4b:s8+s4], $0x6400, $0x38;
	[tilespmem:$0x1E000] =	vst v63  }
0x14: {  	_ =	swait.ge [sflag:s12], $0x6400  }
0x15: {  	[sflag:s12] =	ssyncset.done $0x0  }
0x16: {  	[sflag:s12] =	ssyncadd.s32 $0xFFFF9C00  }
0x17: {  	[bflag:$0x0] =	sbarrier.arrive $0xFFFF  }
0x18: {  	[tilespmem:s14], [sflag:$0x1] =	stream.indirect.gather [hbm4b:s2+s13], $0x80, s4, s13, $0xb8;
	[tilespmem:$0x1E000] =	vst v63  }
0x19: {  	p0 =	sne.s32 s6, $0x1;
	_ =	swait.ge [sflag:s15], $0x4000  }
.Ltmp0:
0x1a: {  	[sflag:s15] =	ssyncset.done $0x0;
	(pc) =	sbr.rel @!p0 .LBB2_3-.Ltmp0, $4  }
0x1b: {  	s17 =	simm.s32 $0x80;
	[sflag:s15] =	ssyncadd.s32 $0xFFFFC000  }
0x1c: {  	[spmem:s3] =	stream.indirect.scatter.add.f32 [tilespmem:s14], [sflag:$0x2], $0x80, s17, s13, $0xb8;
	[tilespmem:$0x1E000] =	vst v63  }
0x1d: {  	_ =	swait.ge [sflag:s12], $0x4000  }
0x1e: {  	s18 =	simm.s32 $0x0;
	s17 =	sadd.s32 $0xFFFFFFFF, s6;
	[sflag:s12] =	ssyncset.done $0x0  }
.LBB2_2:
0x1f: {  	p0 =	sne.s32 s17, $0x1;
	[sflag:s12] =	ssyncadd.s32 $0xFFFFC000;
	s18 =	sadd.s32 $0x100, s18  }
0x20: {  	[tilespmem:s14], [sflag:$0x1] =	stream.indirect.gather [hbm4b:s2+s13], $0x80, s18, s13, $0xb8;
	[tilespmem:$0x1E000] =	vst v63  }
0x21: {  	s17 =	sadd.s32 $0xFFFFFFFF, s17;
	_ =	swait.ge [sflag:s15], $0x4000  }
.Ltmp1:
0x22: {  	[sflag:s15] =	ssyncset.done $0x0;
	(pc) =	sbr.rel @p0 .LBB2_2-.Ltmp1, $4  }
0x23: {  	s19 =	sadd.s32 $0x80, s18;
	[sflag:s15] =	ssyncadd.s32 $0xFFFFC000  }
0x24: {  	[spmem:s3] =	stream.indirect.scatter.add.f32 [tilespmem:s14], [sflag:$0x2], $0x80, s19, s13, $0xb8;
	[tilespmem:$0x1E000] =	vst v63  }
0x25: {  	_ =	swait.ge [sflag:s12], $0x4000  }
0x26: {  	[sflag:s12] =	ssyncset.done $0x0  }
.LBB2_3:
0x27: {  	s16 =	sadd.s32 $0x1, s16  }
0x28: {  	[sflag:s12] =	ssyncadd.s32 $0xFFFFC000;
	p0 =	sne.s32 s16, s10  }
.Ltmp2:
0x29: {  	[bflag:$0x0] =	sbarrier.arrive $0xFFFF;
	(pc) =	sbr.rel @p0 .LBB2_1-.Ltmp2, $4  }
0x2a: {  	[hbm:s9], [sflag:s7] =	dma.local [spmem:s11], $0x2780  }
0x2b: {  	_ =	swait.ge [sflag:s12], $0x2780  }
0x2c: {  	[sflag:s12] =	ssyncset.done $0x0  }
0x2d: {  	[sflag:s12] =	ssyncadd.s32 $0xFFFFD880  }
0x2e: {  	_ =	sfence.sel $0x180000  }
0x2f: {  	[bflag:$0x0] =	sbarrier.arrive $0xFFFF  }
0x30: {  	p0 =	sne.s32 s0, $0x0;
	_ =	strace $0x90000050  }
0x31: {  	s0 =	sadd.s32 @!p0 $0x100000, s1;
	[bflag:$0x2] =	sbarrier.arrive $0xFFFF  }
0x32: {  	[sflag:s0] =	ssyncadd.tile.s32 @!p0 $0x1;
	_ =	shalt  }
.Lfunc_end2:
_tile_overlayer_lowered:
.L_overlay_start_2:
0x33: {  	(tag) =	ssettag $0x2  }
0x34: {  	s0 =	rddreg [dreg:$0x0];
	s2 =	stileid.u32  }
0x35: {  	s1 =	rddreg [dreg:$0x1];
	p0 =	sne.s32 s2, $0x0  }
0x36: {  	s3 =	rddreg [dreg:$0x2];
	[bflag:$0x3] =	sbarrier.arrive $0xFFFF;
	s2 =	simm.s32 @!p0 $0x1C02  }
0x37: {  	[timem:s3], [sflag:s2] =	dma.local @!p0 [hbm:s0], s1  }
0x38: {  	s0 =	simm.s32 @!p0 $0x2  }
0x39: {  	_ =	swait.ge @!p0 [sflag:s0], s1  }
0x3a: {  	s1 =	ssub.s32 @!p0 $0x0, s1;
	[sflag:s0] =	ssyncset.done @!p0 $0x0  }
0x3b: {  	[sflag:s0] =	ssyncadd.s32 @!p0 s1  }
0x3c: {  	[bflag:$0x3] =	sbarrier.arrive $0xFFFF  }
0x3d: {  	_ =	shalt  }

</sc_bundles>
